<compile_context>
chip_gen: v7x
topology: tpu7x:2x2x1
jax: 0.10.2.dev20260603
libtpu: 0.0.44.dev20260713+nightly
codegen_flags: <defaults>
</compile_context>

<pallas_src>
import functools
import math

import jax
import jax.numpy as jnp
from jax import lax
from jax.experimental import pallas as pl
from jax.experimental.pallas import tpu as pltpu
from jax.experimental.pallas import tpu_sc as plsc

VOCAB = 33
HIDDEN = 1024
SCALE = math.sqrt(HIDDEN)

B = 64
S = 1024
N = B * S

NC = 2
NS = 16
NW = NC * NS
TOK_PER_W = N // NW
NFLY = 16
TW = VOCAB * HIDDEN


_mesh = plsc.VectorSubcoreMesh(core_axis_name="c", subcore_axis_name="s")


@functools.partial(
    pl.kernel,
    mesh=_mesh,
    out_type=jax.ShapeDtypeStruct((N, HIDDEN), jnp.float32),
    scratch_types=[
        pltpu.VMEM((TW,), jnp.float32),
        pltpu.VMEM((TOK_PER_W,), jnp.int32),
        pltpu.SemaphoreType.DMA,
        pltpu.SemaphoreType.DMA,
    ],
)
def _emb(tok_hbm, table_hbm, out_hbm, table_v, tok_v, tsem, sem):
    c = lax.axis_index("c")
    s = lax.axis_index("s")
    wid = s * NC + c
    base = wid * TOK_PER_W

    tok_cp = pltpu.make_async_copy(
        tok_hbm.at[pl.ds(base, TOK_PER_W)], tok_v, tsem)
    tok_cp.start()
    pltpu.sync_copy(table_hbm, table_v)

    def scale_step(i, carry):
        for j in range(16):
            o = (i * 16 + j) * 16
            table_v[pl.ds(o, 16)] = table_v[pl.ds(o, 16)] * SCALE
        return carry

    lax.fori_loop(0, TW // 256, scale_step, 0)
    tok_cp.wait()

    def row_copy(row_i, tok):
        return pltpu.make_async_copy(
            table_v.at[pl.ds(tok * HIDDEN, HIDDEN)], out_hbm.at[row_i], sem)

    vec0 = tok_v[pl.ds(0, 16)]
    for j in range(NFLY):
        row_copy(base + j, vec0[j]).start()

    def group(g, carry):
        vec = tok_v[pl.ds(g * 16, 16)]
        gbase = base + g * 16
        for j in range(16):
            row_copy(0, 0).wait()
            row_copy(gbase + j, vec[j]).start()
        return carry

    lax.fori_loop(1, TOK_PER_W // 16, group, 0)
    for j in range(NFLY):
        row_copy(0, 0).wait()


def kernel(tokens, emb_table):
    tok = tokens.reshape(N).astype(jnp.int32)
    out = _emb(tok, emb_table.reshape(TW))
    return out.reshape(B, S, HIDDEN)

# --- scband reference (transcript-rebuilt; emitter-appended) ---
"""Pipeline reference for scband-amino-acid-embedding-54434415509812 (READ-ONLY COPY).

The authoritative reference and input builder live on the scoring server;
editing this copy changes nothing except your own understanding.
"""

import jax, jax.numpy as jnp
import numpy as np
import math

VOCAB = 33
HIDDEN = 1024
PAD_IDX = 0

def setup_inputs(seed: int = 0) -> dict:
    key = jax.random.key(seed)
    k_tok, k_emb = jax.random.split(key)
    tokens = jax.random.randint(k_tok, (64, 1024), 0, VOCAB, dtype=jnp.int64 if jax.config.read('jax_enable_x64') else jnp.int32)
    emb_table = jax.random.normal(k_emb, (VOCAB, HIDDEN), dtype=jnp.float32)
    emb_table = emb_table.at[PAD_IDX].set(0.0)  # padding_idx row is zeros, as in nn.Embedding
    return {"tokens": tokens, "emb_table": emb_table}

def reference(tokens, emb_table):
    # nn.Embedding lookup (gather) followed by sqrt(d) scaling
    emb = jnp.take(emb_table, tokens, axis=0)  # (B, S, H)
    return emb * math.sqrt(HIDDEN)

if __name__ == "__main__":
    import jax
    _d = setup_inputs()
    print(jax.jit(kernel)(*tuple(_d.values())))

</pallas_src>

<mosaic_0001>
#map = affine_map<(d0, d1) -> (0)>
#map1 = affine_map<(d0, d1) -> (0, 0)>
module attributes {stable_mosaic.version = 14 : i64} {
  func.func @_emb(%arg0: i32, %arg1: i32, %arg2: memref<65536xi32, #tpu.memory_space<hbm>>, %arg3: memref<33792xf32, #tpu.memory_space<hbm>>, %arg4: memref<65536x1024xf32, #tpu.memory_space<hbm>>, %arg5: memref<33792xf32, #tpu.memory_space<vmem>>, %arg6: memref<2048xi32, #tpu.memory_space<vmem>>, %arg7: memref<!tpu.dma_semaphore, #tpu.memory_space<semaphore_mem>>, %arg8: memref<!tpu.dma_semaphore, #tpu.memory_space<semaphore_mem>>) attributes {dimension_semantics = [#tpu.dimension_semantics<core_parallel>, #tpu.dimension_semantics<subcore_parallel>], iteration_bounds = array<i64: 2, 16>, scalar_prefetch = 0 : i64, scratch_operands = 4 : i64, tpu.core_type = #tpu.core_type<sc_vector_subcore>, window_params = [{transform_indices = #map}, {transform_indices = #map}, {transform_indices = #map1}]} {
    %mul3A = arith.constant 2 : i32
    %mul3A_0 = arith.muli %arg1, %mul3A : i32
    %add3A = arith.addi %mul3A_0, %arg0 : i32
    %mul3A_1 = arith.constant 2048 : i32
    %mul3A_2 = arith.muli %add3A, %mul3A_1 : i32
    %dma_start3A = tpu.memref_slice %arg2[%mul3A_2] : memref<65536xi32, #tpu.memory_space<hbm>> -> memref<2048xi32, #tpu.memory_space<hbm>>
    %dma_start3A_3 = tpu.memref_slice %arg2[%mul3A_2] : memref<65536xi32, #tpu.memory_space<hbm>> -> memref<2048xi32, #tpu.memory_space<hbm>>
    tpu.enqueue_dma source(%dma_start3A_3 : memref<2048xi32, #tpu.memory_space<hbm>>) target(%arg6 : memref<2048xi32, #tpu.memory_space<vmem>>) target_semaphore(%arg7 : memref<!tpu.dma_semaphore, #tpu.memory_space<semaphore_mem>>)
    "tpu.region"() ({
      %run_scoped3A = tpu.sem_alloc : memref<!tpu.dma_semaphore, #tpu.memory_space<semaphore_mem>>
      tpu.enqueue_dma source(%arg3 : memref<33792xf32, #tpu.memory_space<hbm>>) target(%arg5 : memref<33792xf32, #tpu.memory_space<vmem>>) target_semaphore(%run_scoped3A : memref<!tpu.dma_semaphore, #tpu.memory_space<semaphore_mem>>)
      tpu.wait_dma2 semaphore(%run_scoped3A : memref<!tpu.dma_semaphore, #tpu.memory_space<semaphore_mem>>) src(%arg3 : memref<33792xf32, #tpu.memory_space<hbm>>) dst(%arg5 : memref<33792xf32, #tpu.memory_space<vmem>>)
      tpu.yield
    }) : () -> ()
    %scan3A = arith.constant 0 : i32
    %scan3A_4 = arith.constant 0 : i32
    %scan3A_5 = arith.constant 132 : i32
    %scan3A_6 = arith.addi %scan3A_4, %scan3A_5 : i32
    %scan3A_7 = arith.constant 1 : i32
    scf.for %scan3A_416 = %scan3A_4 to %scan3A_6 step %scan3A_7  : i32 {
      %mul3A_417 = arith.constant 16 : i32
      %mul3A_418 = arith.muli %scan3A_416, %mul3A_417 : i32
      %add3A_419 = arith.constant 0 : i32
      %add3A_420 = arith.addi %mul3A_418, %add3A_419 : i32
      %mul3A_421 = arith.constant 16 : i32
      %mul3A_422 = arith.muli %add3A_420, %mul3A_421 : i32
      %get3A_423 = arith.index_cast %mul3A_422 : i32 to index
      %get3A_424 = tpu.vector_load %arg5[%get3A_423] {strides = array<i32>} : memref<33792xf32, #tpu.memory_space<vmem>>, vector<16xf32>,
      %get3A_425 = vector.shape_cast %get3A_424 : vector<16xf32> to vector<16xf32>
      %mul3A_426 = arith.constant 3.200000e+01 : f32
      %mul3A_427 = vector.broadcast %mul3A_426 : f32 to vector<16xf32>
      %mul3A_428 = arith.mulf %get3A_425, %mul3A_427 : vector<16xf32>
      %swap3A = arith.index_cast %mul3A_422 : i32 to index
      %swap3A_429 = tpu.vector_load %arg5[%swap3A] {strides = array<i32>} : memref<33792xf32, #tpu.memory_space<vmem>>, vector<16xf32>,
      %swap3A_430 = vector.shape_cast %swap3A_429 : vector<16xf32> to vector<16xf32>
      %swap3A_431 = vector.shape_cast %mul3A_428 : vector<16xf32> to vector<16xf32>
      tpu.vector_store %arg5[%swap3A], %swap3A_431 {strides = array<i32>} : memref<33792xf32, #tpu.memory_space<vmem>>, vector<16xf32>,
      %mul3A_432 = arith.constant 16 : i32
      %mul3A_433 = arith.muli %scan3A_416, %mul3A_432 : i32
      %add3A_434 = arith.constant 1 : i32
      %add3A_435 = arith.addi %mul3A_433, %add3A_434 : i32
      %mul3A_436 = arith.constant 16 : i32
      %mul3A_437 = arith.muli %add3A_435, %mul3A_436 : i32
      %get3A_438 = arith.index_cast %mul3A_437 : i32 to index
      %get3A_439 = tpu.vector_load %arg5[%get3A_438] {strides = array<i32>} : memref<33792xf32, #tpu.memory_space<vmem>>, vector<16xf32>,
      %get3A_440 = vector.shape_cast %get3A_439 : vector<16xf32> to vector<16xf32>
      %mul3A_441 = arith.constant 3.200000e+01 : f32
      %mul3A_442 = vector.broadcast %mul3A_441 : f32 to vector<16xf32>
      %mul3A_443 = arith.mulf %get3A_440, %mul3A_442 : vector<16xf32>
      %swap3A_444 = arith.index_cast %mul3A_437 : i32 to index
      %swap3A_445 = tpu.vector_load %arg5[%swap3A_444] {strides = array<i32>} : memref<33792xf32, #tpu.memory_space<vmem>>, vector<16xf32>,
      %swap3A_446 = vector.shape_cast %swap3A_445 : vector<16xf32> to vector<16xf32>
      %swap3A_447 = vector.shape_cast %mul3A_443 : vector<16xf32> to vector<16xf32>
      tpu.vector_store %arg5[%swap3A_444], %swap3A_447 {strides = array<i32>} : memref<33792xf32, #tpu.memory_space<vmem>>, vector<16xf32>,
      %mul3A_448 = arith.constant 16 : i32
      %mul3A_449 = arith.muli %scan3A_416, %mul3A_448 : i32
      %add3A_450 = arith.constant 2 : i32
      %add3A_451 = arith.addi %mul3A_449, %add3A_450 : i32
      %mul3A_452 = arith.constant 16 : i32
      %mul3A_453 = arith.muli %add3A_451, %mul3A_452 : i32
      %get3A_454 = arith.index_cast %mul3A_453 : i32 to index
      %get3A_455 = tpu.vector_load %arg5[%get3A_454] {strides = array<i32>} : memref<33792xf32, #tpu.memory_space<vmem>>, vector<16xf32>,
      %get3A_456 = vector.shape_cast %get3A_455 : vector<16xf32> to vector<16xf32>
      %mul3A_457 = arith.constant 3.200000e+01 : f32
      %mul3A_458 = vector.broadcast %mul3A_457 : f32 to vector<16xf32>
      %mul3A_459 = arith.mulf %get3A_456, %mul3A_458 : vector<16xf32>
      %swap3A_460 = arith.index_cast %mul3A_453 : i32 to index
      %swap3A_461 = tpu.vector_load %arg5[%swap3A_460] {strides = array<i32>} : memref<33792xf32, #tpu.memory_space<vmem>>, vector<16xf32>,
      %swap3A_462 = vector.shape_cast %swap3A_461 : vector<16xf32> to vector<16xf32>
      %swap3A_463 = vector.shape_cast %mul3A_459 : vector<16xf32> to vector<16xf32>
      tpu.vector_store %arg5[%swap3A_460], %swap3A_463 {strides = array<i32>} : memref<33792xf32, #tpu.memory_space<vmem>>, vector<16xf32>,
      %mul3A_464 = arith.constant 16 : i32
      %mul3A_465 = arith.muli %scan3A_416, %mul3A_464 : i32
      %add3A_466 = arith.constant 3 : i32
      %add3A_467 = arith.addi %mul3A_465, %add3A_466 : i32
      %mul3A_468 = arith.constant 16 : i32
      %mul3A_469 = arith.muli %add3A_467, %mul3A_468 : i32
      %get3A_470 = arith.index_cast %mul3A_469 : i32 to index
      %get3A_471 = tpu.vector_load %arg5[%get3A_470] {strides = array<i32>} : memref<33792xf32, #tpu.memory_space<vmem>>, vector<16xf32>,
      %get3A_472 = vector.shape_cast %get3A_471 : vector<16xf32> to vector<16xf32>
      %mul3A_473 = arith.constant 3.200000e+01 : f32
      %mul3A_474 = vector.broadcast %mul3A_473 : f32 to vector<16xf32>
      %mul3A_475 = arith.mulf %get3A_472, %mul3A_474 : vector<16xf32>
      %swap3A_476 = arith.index_cast %mul3A_469 : i32 to index
      %swap3A_477 = tpu.vector_load %arg5[%swap3A_476] {strides = array<i32>} : memref<33792xf32, #tpu.memory_space<vmem>>, vector<16xf32>,
      %swap3A_478 = vector.shape_cast %swap3A_477 : vector<16xf32> to vector<16xf32>
      %swap3A_479 = vector.shape_cast %mul3A_475 : vector<16xf32> to vector<16xf32>
      tpu.vector_store %arg5[%swap3A_476], %swap3A_479 {strides = array<i32>} : memref<33792xf32, #tpu.memory_space<vmem>>, vector<16xf32>,
      %mul3A_480 = arith.constant 16 : i32
      %mul3A_481 = arith.muli %scan3A_416, %mul3A_480 : i32
      %add3A_482 = arith.constant 4 : i32
      %add3A_483 = arith.addi %mul3A_481, %add3A_482 : i32
      %mul3A_484 = arith.constant 16 : i32
      %mul3A_485 = arith.muli %add3A_483, %mul3A_484 : i32
      %get3A_486 = arith.index_cast %mul3A_485 : i32 to index
      %get3A_487 = tpu.vector_load %arg5[%get3A_486] {strides = array<i32>} : memref<33792xf32, #tpu.memory_space<vmem>>, vector<16xf32>,
      %get3A_488 = vector.shape_cast %get3A_487 : vector<16xf32> to vector<16xf32>
      %mul3A_489 = arith.constant 3.200000e+01 : f32
      %mul3A_490 = vector.broadcast %mul3A_489 : f32 to vector<16xf32>
      %mul3A_491 = arith.mulf %get3A_488, %mul3A_490 : vector<16xf32>
      %swap3A_492 = arith.index_cast %mul3A_485 : i32 to index
      %swap3A_493 = tpu.vector_load %arg5[%swap3A_492] {strides = array<i32>} : memref<33792xf32, #tpu.memory_space<vmem>>, vector<16xf32>,
      %swap3A_494 = vector.shape_cast %swap3A_493 : vector<16xf32> to vector<16xf32>
      %swap3A_495 = vector.shape_cast %mul3A_491 : vector<16xf32> to vector<16xf32>
      tpu.vector_store %arg5[%swap3A_492], %swap3A_495 {strides = array<i32>} : memref<33792xf32, #tpu.memory_space<vmem>>, vector<16xf32>,
      %mul3A_496 = arith.constant 16 : i32
      %mul3A_497 = arith.muli %scan3A_416, %mul3A_496 : i32
      %add3A_498 = arith.constant 5 : i32
      %add3A_499 = arith.addi %mul3A_497, %add3A_498 : i32
      %mul3A_500 = arith.constant 16 : i32
      %mul3A_501 = arith.muli %add3A_499, %mul3A_500 : i32
      %get3A_502 = arith.index_cast %mul3A_501 : i32 to index
      %get3A_503 = tpu.vector_load %arg5[%get3A_502] {strides = array<i32>} : memref<33792xf32, #tpu.memory_space<vmem>>, vector<16xf32>,
      %get3A_504 = vector.shape_cast %get3A_503 : vector<16xf32> to vector<16xf32>
      %mul3A_505 = arith.constant 3.200000e+01 : f32
      %mul3A_506 = vector.broadcast %mul3A_505 : f32 to vector<16xf32>
      %mul3A_507 = arith.mulf %get3A_504, %mul3A_506 : vector<16xf32>
      %swap3A_508 = arith.index_cast %mul3A_501 : i32 to index
      %swap3A_509 = tpu.vector_load %arg5[%swap3A_508] {strides = array<i32>} : memref<33792xf32, #tpu.memory_space<vmem>>, vector<16xf32>,
      %swap3A_510 = vector.shape_cast %swap3A_509 : vector<16xf32> to vector<16xf32>
      %swap3A_511 = vector.shape_cast %mul3A_507 : vector<16xf32> to vector<16xf32>
      tpu.vector_store %arg5[%swap3A_508], %swap3A_511 {strides = array<i32>} : memref<33792xf32, #tpu.memory_space<vmem>>, vector<16xf32>,
      %mul3A_512 = arith.constant 16 : i32
      %mul3A_513 = arith.muli %scan3A_416, %mul3A_512 : i32
      %add3A_514 = arith.constant 6 : i32
      %add3A_515 = arith.addi %mul3A_513, %add3A_514 : i32
      %mul3A_516 = arith.constant 16 : i32
      %mul3A_517 = arith.muli %add3A_515, %mul3A_516 : i32
      %get3A_518 = arith.index_cast %mul3A_517 : i32 to index
      %get3A_519 = tpu.vector_load %arg5[%get3A_518] {strides = array<i32>} : memref<33792xf32, #tpu.memory_space<vmem>>, vector<16xf32>,
      %get3A_520 = vector.shape_cast %get3A_519 : vector<16xf32> to vector<16xf32>
      %mul3A_521 = arith.constant 3.200000e+01 : f32
      %mul3A_522 = vector.broadcast %mul3A_521 : f32 to vector<16xf32>
      %mul3A_523 = arith.mulf %get3A_520, %mul3A_522 : vector<16xf32>
      %swap3A_524 = arith.index_cast %mul3A_517 : i32 to index
      %swap3A_525 = tpu.vector_load %arg5[%swap3A_524] {strides = array<i32>} : memref<33792xf32, #tpu.memory_space<vmem>>, vector<16xf32>,
      %swap3A_526 = vector.shape_cast %swap3A_525 : vector<16xf32> to vector<16xf32>
      %swap3A_527 = vector.shape_cast %mul3A_523 : vector<16xf32> to vector<16xf32>
      tpu.vector_store %arg5[%swap3A_524], %swap3A_527 {strides = array<i32>} : memref<33792xf32, #tpu.memory_space<vmem>>, vector<16xf32>,
      %mul3A_528 = arith.constant 16 : i32
      %mul3A_529 = arith.muli %scan3A_416, %mul3A_528 : i32
      %add3A_530 = arith.constant 7 : i32
      %add3A_531 = arith.addi %mul3A_529, %add3A_530 : i32
      %mul3A_532 = arith.constant 16 : i32
      %mul3A_533 = arith.muli %add3A_531, %mul3A_532 : i32
      %get3A_534 = arith.index_cast %mul3A_533 : i32 to index
      %get3A_535 = tpu.vector_load %arg5[%get3A_534] {strides = array<i32>} : memref<33792xf32, #tpu.memory_space<vmem>>, vector<16xf32>,
      %get3A_536 = vector.shape_cast %get3A_535 : vector<16xf32> to vector<16xf32>
      %mul3A_537 = arith.constant 3.200000e+01 : f32
      %mul3A_538 = vector.broadcast %mul3A_537 : f32 to vector<16xf32>
      %mul3A_539 = arith.mulf %get3A_536, %mul3A_538 : vector<16xf32>
      %swap3A_540 = arith.index_cast %mul3A_533 : i32 to index
      %swap3A_541 = tpu.vector_load %arg5[%swap3A_540] {strides = array<i32>} : memref<33792xf32, #tpu.memory_space<vmem>>, vector<16xf32>,
      %swap3A_542 = vector.shape_cast %swap3A_541 : vector<16xf32> to vector<16xf32>
      %swap3A_543 = vector.shape_cast %mul3A_539 : vector<16xf32> to vector<16xf32>
      tpu.vector_store %arg5[%swap3A_540], %swap3A_543 {strides = array<i32>} : memref<33792xf32, #tpu.memory_space<vmem>>, vector<16xf32>,
      %mul3A_544 = arith.constant 16 : i32
      %mul3A_545 = arith.muli %scan3A_416, %mul3A_544 : i32
      %add3A_546 = arith.constant 8 : i32
      %add3A_547 = arith.addi %mul3A_545, %add3A_546 : i32
      %mul3A_548 = arith.constant 16 : i32
      %mul3A_549 = arith.muli %add3A_547, %mul3A_548 : i32
      %get3A_550 = arith.index_cast %mul3A_549 : i32 to index
      %get3A_551 = tpu.vector_load %arg5[%get3A_550] {strides = array<i32>} : memref<33792xf32, #tpu.memory_space<vmem>>, vector<16xf32>,
      %get3A_552 = vector.shape_cast %get3A_551 : vector<16xf32> to vector<16xf32>
      %mul3A_553 = arith.constant 3.200000e+01 : f32
      %mul3A_554 = vector.broadcast %mul3A_553 : f32 to vector<16xf32>
      %mul3A_555 = arith.mulf %get3A_552, %mul3A_554 : vector<16xf32>
      %swap3A_556 = arith.index_cast %mul3A_549 : i32 to index
      %swap3A_557 = tpu.vector_load %arg5[%swap3A_556] {strides = array<i32>} : memref<33792xf32, #tpu.memory_space<vmem>>, vector<16xf32>,
      %swap3A_558 = vector.shape_cast %swap3A_557 : vector<16xf32> to vector<16xf32>
      %swap3A_559 = vector.shape_cast %mul3A_555 : vector<16xf32> to vector<16xf32>
      tpu.vector_store %arg5[%swap3A_556], %swap3A_559 {strides = array<i32>} : memref<33792xf32, #tpu.memory_space<vmem>>, vector<16xf32>,
      %mul3A_560 = arith.constant 16 : i32
      %mul3A_561 = arith.muli %scan3A_416, %mul3A_560 : i32
      %add3A_562 = arith.constant 9 : i32
      %add3A_563 = arith.addi %mul3A_561, %add3A_562 : i32
      %mul3A_564 = arith.constant 16 : i32
      %mul3A_565 = arith.muli %add3A_563, %mul3A_564 : i32
      %get3A_566 = arith.index_cast %mul3A_565 : i32 to index
      %get3A_567 = tpu.vector_load %arg5[%get3A_566] {strides = array<i32>} : memref<33792xf32, #tpu.memory_space<vmem>>, vector<16xf32>,
      %get3A_568 = vector.shape_cast %get3A_567 : vector<16xf32> to vector<16xf32>
      %mul3A_569 = arith.constant 3.200000e+01 : f32
      %mul3A_570 = vector.broadcast %mul3A_569 : f32 to vector<16xf32>
      %mul3A_571 = arith.mulf %get3A_568, %mul3A_570 : vector<16xf32>
      %swap3A_572 = arith.index_cast %mul3A_565 : i32 to index
      %swap3A_573 = tpu.vector_load %arg5[%swap3A_572] {strides = array<i32>} : memref<33792xf32, #tpu.memory_space<vmem>>, vector<16xf32>,
      %swap3A_574 = vector.shape_cast %swap3A_573 : vector<16xf32> to vector<16xf32>
      %swap3A_575 = vector.shape_cast %mul3A_571 : vector<16xf32> to vector<16xf32>
      tpu.vector_store %arg5[%swap3A_572], %swap3A_575 {strides = array<i32>} : memref<33792xf32, #tpu.memory_space<vmem>>, vector<16xf32>,
      %mul3A_576 = arith.constant 16 : i32
      %mul3A_577 = arith.muli %scan3A_416, %mul3A_576 : i32
      %add3A_578 = arith.constant 10 : i32
      %add3A_579 = arith.addi %mul3A_577, %add3A_578 : i32
      %mul3A_580 = arith.constant 16 : i32
      %mul3A_581 = arith.muli %add3A_579, %mul3A_580 : i32
      %get3A_582 = arith.index_cast %mul3A_581 : i32 to index
      %get3A_583 = tpu.vector_load %arg5[%get3A_582] {strides = array<i32>} : memref<33792xf32, #tpu.memory_space<vmem>>, vector<16xf32>,
      %get3A_584 = vector.shape_cast %get3A_583 : vector<16xf32> to vector<16xf32>
      %mul3A_585 = arith.constant 3.200000e+01 : f32
      %mul3A_586 = vector.broadcast %mul3A_585 : f32 to vector<16xf32>
      %mul3A_587 = arith.mulf %get3A_584, %mul3A_586 : vector<16xf32>
      %swap3A_588 = arith.index_cast %mul3A_581 : i32 to index
      %swap3A_589 = tpu.vector_load %arg5[%swap3A_588] {strides = array<i32>} : memref<33792xf32, #tpu.memory_space<vmem>>, vector<16xf32>,
      %swap3A_590 = vector.shape_cast %swap3A_589 : vector<16xf32> to vector<16xf32>
      %swap3A_591 = vector.shape_cast %mul3A_587 : vector<16xf32> to vector<16xf32>
      tpu.vector_store %arg5[%swap3A_588], %swap3A_591 {strides = array<i32>} : memref<33792xf32, #tpu.memory_space<vmem>>, vector<16xf32>,
      %mul3A_592 = arith.constant 16 : i32
      %mul3A_593 = arith.muli %scan3A_416, %mul3A_592 : i32
      %add3A_594 = arith.constant 11 : i32
      %add3A_595 = arith.addi %mul3A_593, %add3A_594 : i32
      %mul3A_596 = arith.constant 16 : i32
      %mul3A_597 = arith.muli %add3A_595, %mul3A_596 : i32
      %get3A_598 = arith.index_cast %mul3A_597 : i32 to index
      %get3A_599 = tpu.vector_load %arg5[%get3A_598] {strides = array<i32>} : memref<33792xf32, #tpu.memory_space<vmem>>, vector<16xf32>,
      %get3A_600 = vector.shape_cast %get3A_599 : vector<16xf32> to vector<16xf32>
      %mul3A_601 = arith.constant 3.200000e+01 : f32
      %mul3A_602 = vector.broadcast %mul3A_601 : f32 to vector<16xf32>
      %mul3A_603 = arith.mulf %get3A_600, %mul3A_602 : vector<16xf32>
      %swap3A_604 = arith.index_cast %mul3A_597 : i32 to index
      %swap3A_605 = tpu.vector_load %arg5[%swap3A_604] {strides = array<i32>} : memref<33792xf32, #tpu.memory_space<vmem>>, vector<16xf32>,
      %swap3A_606 = vector.shape_cast %swap3A_605 : vector<16xf32> to vector<16xf32>
      %swap3A_607 = vector.shape_cast %mul3A_603 : vector<16xf32> to vector<16xf32>
      tpu.vector_store %arg5[%swap3A_604], %swap3A_607 {strides = array<i32>} : memref<33792xf32, #tpu.memory_space<vmem>>, vector<16xf32>,
      %mul3A_608 = arith.constant 16 : i32
      %mul3A_609 = arith.muli %scan3A_416, %mul3A_608 : i32
      %add3A_610 = arith.constant 12 : i32
      %add3A_611 = arith.addi %mul3A_609, %add3A_610 : i32
      %mul3A_612 = arith.constant 16 : i32
      %mul3A_613 = arith.muli %add3A_611, %mul3A_612 : i32
      %get3A_614 = arith.index_cast %mul3A_613 : i32 to index
      %get3A_615 = tpu.vector_load %arg5[%get3A_614] {strides = array<i32>} : memref<33792xf32, #tpu.memory_space<vmem>>, vector<16xf32>,
      %get3A_616 = vector.shape_cast %get3A_615 : vector<16xf32> to vector<16xf32>
      %mul3A_617 = arith.constant 3.200000e+01 : f32
      %mul3A_618 = vector.broadcast %mul3A_617 : f32 to vector<16xf32>
      %mul3A_619 = arith.mulf %get3A_616, %mul3A_618 : vector<16xf32>
      %swap3A_620 = arith.index_cast %mul3A_613 : i32 to index
      %swap3A_621 = tpu.vector_load %arg5[%swap3A_620] {strides = array<i32>} : memref<33792xf32, #tpu.memory_space<vmem>>, vector<16xf32>,
      %swap3A_622 = vector.shape_cast %swap3A_621 : vector<16xf32> to vector<16xf32>
      %swap3A_623 = vector.shape_cast %mul3A_619 : vector<16xf32> to vector<16xf32>
      tpu.vector_store %arg5[%swap3A_620], %swap3A_623 {strides = array<i32>} : memref<33792xf32, #tpu.memory_space<vmem>>, vector<16xf32>,
      %mul3A_624 = arith.constant 16 : i32
      %mul3A_625 = arith.muli %scan3A_416, %mul3A_624 : i32
      %add3A_626 = arith.constant 13 : i32
      %add3A_627 = arith.addi %mul3A_625, %add3A_626 : i32
      %mul3A_628 = arith.constant 16 : i32
      %mul3A_629 = arith.muli %add3A_627, %mul3A_628 : i32
      %get3A_630 = arith.index_cast %mul3A_629 : i32 to index
      %get3A_631 = tpu.vector_load %arg5[%get3A_630] {strides = array<i32>} : memref<33792xf32, #tpu.memory_space<vmem>>, vector<16xf32>,
      %get3A_632 = vector.shape_cast %get3A_631 : vector<16xf32> to vector<16xf32>
      %mul3A_633 = arith.constant 3.200000e+01 : f32
      %mul3A_634 = vector.broadcast %mul3A_633 : f32 to vector<16xf32>
      %mul3A_635 = arith.mulf %get3A_632, %mul3A_634 : vector<16xf32>
      %swap3A_636 = arith.index_cast %mul3A_629 : i32 to index
      %swap3A_637 = tpu.vector_load %arg5[%swap3A_636] {strides = array<i32>} : memref<33792xf32, #tpu.memory_space<vmem>>, vector<16xf32>,
      %swap3A_638 = vector.shape_cast %swap3A_637 : vector<16xf32> to vector<16xf32>
      %swap3A_639 = vector.shape_cast %mul3A_635 : vector<16xf32> to vector<16xf32>
      tpu.vector_store %arg5[%swap3A_636], %swap3A_639 {strides = array<i32>} : memref<33792xf32, #tpu.memory_space<vmem>>, vector<16xf32>,
      %mul3A_640 = arith.constant 16 : i32
      %mul3A_641 = arith.muli %scan3A_416, %mul3A_640 : i32
      %add3A_642 = arith.constant 14 : i32
      %add3A_643 = arith.addi %mul3A_641, %add3A_642 : i32
      %mul3A_644 = arith.constant 16 : i32
      %mul3A_645 = arith.muli %add3A_643, %mul3A_644 : i32
      %get3A_646 = arith.index_cast %mul3A_645 : i32 to index
      %get3A_647 = tpu.vector_load %arg5[%get3A_646] {strides = array<i32>} : memref<33792xf32, #tpu.memory_space<vmem>>, vector<16xf32>,
      %get3A_648 = vector.shape_cast %get3A_647 : vector<16xf32> to vector<16xf32>
      %mul3A_649 = arith.constant 3.200000e+01 : f32
      %mul3A_650 = vector.broadcast %mul3A_649 : f32 to vector<16xf32>
      %mul3A_651 = arith.mulf %get3A_648, %mul3A_650 : vector<16xf32>
      %swap3A_652 = arith.index_cast %mul3A_645 : i32 to index
      %swap3A_653 = tpu.vector_load %arg5[%swap3A_652] {strides = array<i32>} : memref<33792xf32, #tpu.memory_space<vmem>>, vector<16xf32>,
      %swap3A_654 = vector.shape_cast %swap3A_653 : vector<16xf32> to vector<16xf32>
      %swap3A_655 = vector.shape_cast %mul3A_651 : vector<16xf32> to vector<16xf32>
      tpu.vector_store %arg5[%swap3A_652], %swap3A_655 {strides = array<i32>} : memref<33792xf32, #tpu.memory_space<vmem>>, vector<16xf32>,
      %mul3A_656 = arith.constant 16 : i32
      %mul3A_657 = arith.muli %scan3A_416, %mul3A_656 : i32
      %add3A_658 = arith.constant 15 : i32
      %add3A_659 = arith.addi %mul3A_657, %add3A_658 : i32
      %mul3A_660 = arith.constant 16 : i32
      %mul3A_661 = arith.muli %add3A_659, %mul3A_660 : i32
      %get3A_662 = arith.index_cast %mul3A_661 : i32 to index
      %get3A_663 = tpu.vector_load %arg5[%get3A_662] {strides = array<i32>} : memref<33792xf32, #tpu.memory_space<vmem>>, vector<16xf32>,
      %get3A_664 = vector.shape_cast %get3A_663 : vector<16xf32> to vector<16xf32>
      %mul3A_665 = arith.constant 3.200000e+01 : f32
      %mul3A_666 = vector.broadcast %mul3A_665 : f32 to vector<16xf32>
      %mul3A_667 = arith.mulf %get3A_664, %mul3A_666 : vector<16xf32>
      %swap3A_668 = arith.index_cast %mul3A_661 : i32 to index
      %swap3A_669 = tpu.vector_load %arg5[%swap3A_668] {strides = array<i32>} : memref<33792xf32, #tpu.memory_space<vmem>>, vector<16xf32>,
      %swap3A_670 = vector.shape_cast %swap3A_669 : vector<16xf32> to vector<16xf32>
      %swap3A_671 = vector.shape_cast %mul3A_667 : vector<16xf32> to vector<16xf32>
      tpu.vector_store %arg5[%swap3A_668], %swap3A_671 {strides = array<i32>} : memref<33792xf32, #tpu.memory_space<vmem>>, vector<16xf32>,
    }
    %scan3A_8 = arith.constant 132 : i32
    %dma_wait3A = tpu.memref_slice %arg2[%mul3A_2] : memref<65536xi32, #tpu.memory_space<hbm>> -> memref<2048xi32, #tpu.memory_space<hbm>>
    %dma_wait3A_9 = tpu.memref_slice %arg2[%mul3A_2] : memref<65536xi32, #tpu.memory_space<hbm>> -> memref<2048xi32, #tpu.memory_space<hbm>>
    tpu.wait_dma2 semaphore(%arg7 : memref<!tpu.dma_semaphore, #tpu.memory_space<semaphore_mem>>) src(%dma_wait3A_9 : memref<2048xi32, #tpu.memory_space<hbm>>) dst(%arg6 : memref<2048xi32, #tpu.memory_space<vmem>>)
    %get3A = arith.constant 0 : index
    %get3A_10 = tpu.vector_load %arg6[%get3A] {strides = array<i32>} : memref<2048xi32, #tpu.memory_space<vmem>>, vector<16xi32>,
    %get3A_11 = vector.shape_cast %get3A_10 : vector<16xi32> to vector<16xi32>
    %add3A_12 = arith.constant 0 : i32
    %add3A_13 = arith.addi %mul3A_2, %add3A_12 : i32
    %slice3A = vector.extract_strided_slice %get3A_11 {offsets = [0], sizes = [1], strides = [1]} : vector<16xi32> to vector<1xi32>
    %squeeze3A = vector.extract %slice3A[0] : i32 from vector<1xi32>
    %mul3A_14 = arith.constant 1024 : i32
    %mul3A_15 = arith.muli %squeeze3A, %mul3A_14 : i32
    %dma_start3A_16 = tpu.memref_slice %arg5[%mul3A_15] : memref<33792xf32, #tpu.memory_space<vmem>> -> memref<1024xf32, #tpu.memory_space<vmem>>
    %dma_start3A_17 = arith.constant 0 : i32
    %dma_start3A_18 = tpu.memref_slice %arg4[%add3A_13, %dma_start3A_17] : memref<65536x1024xf32, #tpu.memory_space<hbm>> -> memref<1x1024xf32, #tpu.memory_space<hbm>>
    %dma_start3A_19 = tpu.memref_squeeze %dma_start3A_18 : memref<1x1024xf32, #tpu.memory_space<hbm>> -> memref<1024xf32, #tpu.memory_space<hbm>>
    %dma_start3A_20 = arith.constant 0 : i32
    %dma_start3A_21 = tpu.memref_slice %arg4[%add3A_13, %dma_start3A_20] : memref<65536x1024xf32, #tpu.memory_space<hbm>> -> memref<1x1024xf32, #tpu.memory_space<hbm>>
    %dma_start3A_22 = tpu.memref_squeeze %dma_start3A_21 : memref<1x1024xf32, #tpu.memory_space<hbm>> -> memref<1024xf32, #tpu.memory_space<hbm>>
    %dma_start3A_23 = tpu.memref_slice %arg5[%mul3A_15] : memref<33792xf32, #tpu.memory_space<vmem>> -> memref<1024xf32, #tpu.memory_space<vmem>>
    tpu.enqueue_dma source(%dma_start3A_23 : memref<1024xf32, #tpu.memory_space<vmem>>) target(%dma_start3A_22 : memref<1024xf32, #tpu.memory_space<hbm>>) target_semaphore(%arg8 : memref<!tpu.dma_semaphore, #tpu.memory_space<semaphore_mem>>)
    %add3A_24 = arith.constant 1 : i32
    %add3A_25 = arith.addi %mul3A_2, %add3A_24 : i32
    %slice3A_26 = vector.extract_strided_slice %get3A_11 {offsets = [1], sizes = [1], strides = [1]} : vector<16xi32> to vector<1xi32>
    %squeeze3A_27 = vector.extract %slice3A_26[0] : i32 from vector<1xi32>
    %mul3A_28 = arith.constant 1024 : i32
    %mul3A_29 = arith.muli %squeeze3A_27, %mul3A_28 : i32
    %dma_start3A_30 = tpu.memref_slice %arg5[%mul3A_29] : memref<33792xf32, #tpu.memory_space<vmem>> -> memref<1024xf32, #tpu.memory_space<vmem>>
    %dma_start3A_31 = arith.constant 0 : i32
    %dma_start3A_32 = tpu.memref_slice %arg4[%add3A_25, %dma_start3A_31] : memref<65536x1024xf32, #tpu.memory_space<hbm>> -> memref<1x1024xf32, #tpu.memory_space<hbm>>
    %dma_start3A_33 = tpu.memref_squeeze %dma_start3A_32 : memref<1x1024xf32, #tpu.memory_space<hbm>> -> memref<1024xf32, #tpu.memory_space<hbm>>
    %dma_start3A_34 = arith.constant 0 : i32
    %dma_start3A_35 = tpu.memref_slice %arg4[%add3A_25, %dma_start3A_34] : memref<65536x1024xf32, #tpu.memory_space<hbm>> -> memref<1x1024xf32, #tpu.memory_space<hbm>>
    %dma_start3A_36 = tpu.memref_squeeze %dma_start3A_35 : memref<1x1024xf32, #tpu.memory_space<hbm>> -> memref<1024xf32, #tpu.memory_space<hbm>>
    %dma_start3A_37 = tpu.memref_slice %arg5[%mul3A_29] : memref<33792xf32, #tpu.memory_space<vmem>> -> memref<1024xf32, #tpu.memory_space<vmem>>
    tpu.enqueue_dma source(%dma_start3A_37 : memref<1024xf32, #tpu.memory_space<vmem>>) target(%dma_start3A_36 : memref<1024xf32, #tpu.memory_space<hbm>>) target_semaphore(%arg8 : memref<!tpu.dma_semaphore, #tpu.memory_space<semaphore_mem>>)
    %add3A_38 = arith.constant 2 : i32
    %add3A_39 = arith.addi %mul3A_2, %add3A_38 : i32
    %slice3A_40 = vector.extract_strided_slice %get3A_11 {offsets = [2], sizes = [1], strides = [1]} : vector<16xi32> to vector<1xi32>
    %squeeze3A_41 = vector.extract %slice3A_40[0] : i32 from vector<1xi32>
    %mul3A_42 = arith.constant 1024 : i32
    %mul3A_43 = arith.muli %squeeze3A_41, %mul3A_42 : i32
    %dma_start3A_44 = tpu.memref_slice %arg5[%mul3A_43] : memref<33792xf32, #tpu.memory_space<vmem>> -> memref<1024xf32, #tpu.memory_space<vmem>>
    %dma_start3A_45 = arith.constant 0 : i32
    %dma_start3A_46 = tpu.memref_slice %arg4[%add3A_39, %dma_start3A_45] : memref<65536x1024xf32, #tpu.memory_space<hbm>> -> memref<1x1024xf32, #tpu.memory_space<hbm>>
    %dma_start3A_47 = tpu.memref_squeeze %dma_start3A_46 : memref<1x1024xf32, #tpu.memory_space<hbm>> -> memref<1024xf32, #tpu.memory_space<hbm>>
    %dma_start3A_48 = arith.constant 0 : i32
    %dma_start3A_49 = tpu.memref_slice %arg4[%add3A_39, %dma_start3A_48] : memref<65536x1024xf32, #tpu.memory_space<hbm>> -> memref<1x1024xf32, #tpu.memory_space<hbm>>
    %dma_start3A_50 = tpu.memref_squeeze %dma_start3A_49 : memref<1x1024xf32, #tpu.memory_space<hbm>> -> memref<1024xf32, #tpu.memory_space<hbm>>
    %dma_start3A_51 = tpu.memref_slice %arg5[%mul3A_43] : memref<33792xf32, #tpu.memory_space<vmem>> -> memref<1024xf32, #tpu.memory_space<vmem>>
    tpu.enqueue_dma source(%dma_start3A_51 : memref<1024xf32, #tpu.memory_space<vmem>>) target(%dma_start3A_50 : memref<1024xf32, #tpu.memory_space<hbm>>) target_semaphore(%arg8 : memref<!tpu.dma_semaphore, #tpu.memory_space<semaphore_mem>>)
    %add3A_52 = arith.constant 3 : i32
    %add3A_53 = arith.addi %mul3A_2, %add3A_52 : i32
    %slice3A_54 = vector.extract_strided_slice %get3A_11 {offsets = [3], sizes = [1], strides = [1]} : vector<16xi32> to vector<1xi32>
    %squeeze3A_55 = vector.extract %slice3A_54[0] : i32 from vector<1xi32>
    %mul3A_56 = arith.constant 1024 : i32
    %mul3A_57 = arith.muli %squeeze3A_55, %mul3A_56 : i32
    %dma_start3A_58 = tpu.memref_slice %arg5[%mul3A_57] : memref<33792xf32, #tpu.memory_space<vmem>> -> memref<1024xf32, #tpu.memory_space<vmem>>
    %dma_start3A_59 = arith.constant 0 : i32
    %dma_start3A_60 = tpu.memref_slice %arg4[%add3A_53, %dma_start3A_59] : memref<65536x1024xf32, #tpu.memory_space<hbm>> -> memref<1x1024xf32, #tpu.memory_space<hbm>>
    %dma_start3A_61 = tpu.memref_squeeze %dma_start3A_60 : memref<1x1024xf32, #tpu.memory_space<hbm>> -> memref<1024xf32, #tpu.memory_space<hbm>>
    %dma_start3A_62 = arith.constant 0 : i32
    %dma_start3A_63 = tpu.memref_slice %arg4[%add3A_53, %dma_start3A_62] : memref<65536x1024xf32, #tpu.memory_space<hbm>> -> memref<1x1024xf32, #tpu.memory_space<hbm>>
    %dma_start3A_64 = tpu.memref_squeeze %dma_start3A_63 : memref<1x1024xf32, #tpu.memory_space<hbm>> -> memref<1024xf32, #tpu.memory_space<hbm>>
    %dma_start3A_65 = tpu.memref_slice %arg5[%mul3A_57] : memref<33792xf32, #tpu.memory_space<vmem>> -> memref<1024xf32, #tpu.memory_space<vmem>>
    tpu.enqueue_dma source(%dma_start3A_65 : memref<1024xf32, #tpu.memory_space<vmem>>) target(%dma_start3A_64 : memref<1024xf32, #tpu.memory_space<hbm>>) target_semaphore(%arg8 : memref<!tpu.dma_semaphore, #tpu.memory_space<semaphore_mem>>)
    %add3A_66 = arith.constant 4 : i32
    %add3A_67 = arith.addi %mul3A_2, %add3A_66 : i32
    %slice3A_68 = vector.extract_strided_slice %get3A_11 {offsets = [4], sizes = [1], strides = [1]} : vector<16xi32> to vector<1xi32>
    %squeeze3A_69 = vector.extract %slice3A_68[0] : i32 from vector<1xi32>
    %mul3A_70 = arith.constant 1024 : i32
    %mul3A_71 = arith.muli %squeeze3A_69, %mul3A_70 : i32
    %dma_start3A_72 = tpu.memref_slice %arg5[%mul3A_71] : memref<33792xf32, #tpu.memory_space<vmem>> -> memref<1024xf32, #tpu.memory_space<vmem>>
    %dma_start3A_73 = arith.constant 0 : i32
    %dma_start3A_74 = tpu.memref_slice %arg4[%add3A_67, %dma_start3A_73] : memref<65536x1024xf32, #tpu.memory_space<hbm>> -> memref<1x1024xf32, #tpu.memory_space<hbm>>
    %dma_start3A_75 = tpu.memref_squeeze %dma_start3A_74 : memref<1x1024xf32, #tpu.memory_space<hbm>> -> memref<1024xf32, #tpu.memory_space<hbm>>
    %dma_start3A_76 = arith.constant 0 : i32
    %dma_start3A_77 = tpu.memref_slice %arg4[%add3A_67, %dma_start3A_76] : memref<65536x1024xf32, #tpu.memory_space<hbm>> -> memref<1x1024xf32, #tpu.memory_space<hbm>>
    %dma_start3A_78 = tpu.memref_squeeze %dma_start3A_77 : memref<1x1024xf32, #tpu.memory_space<hbm>> -> memref<1024xf32, #tpu.memory_space<hbm>>
    %dma_start3A_79 = tpu.memref_slice %arg5[%mul3A_71] : memref<33792xf32, #tpu.memory_space<vmem>> -> memref<1024xf32, #tpu.memory_space<vmem>>
    tpu.enqueue_dma source(%dma_start3A_79 : memref<1024xf32, #tpu.memory_space<vmem>>) target(%dma_start3A_78 : memref<1024xf32, #tpu.memory_space<hbm>>) target_semaphore(%arg8 : memref<!tpu.dma_semaphore, #tpu.memory_space<semaphore_mem>>)
    %add3A_80 = arith.constant 5 : i32
    %add3A_81 = arith.addi %mul3A_2, %add3A_80 : i32
    %slice3A_82 = vector.extract_strided_slice %get3A_11 {offsets = [5], sizes = [1], strides = [1]} : vector<16xi32> to vector<1xi32>
    %squeeze3A_83 = vector.extract %slice3A_82[0] : i32 from vector<1xi32>
    %mul3A_84 = arith.constant 1024 : i32
    %mul3A_85 = arith.muli %squeeze3A_83, %mul3A_84 : i32
    %dma_start3A_86 = tpu.memref_slice %arg5[%mul3A_85] : memref<33792xf32, #tpu.memory_space<vmem>> -> memref<1024xf32, #tpu.memory_space<vmem>>
    %dma_start3A_87 = arith.constant 0 : i32
    %dma_start3A_88 = tpu.memref_slice %arg4[%add3A_81, %dma_start3A_87] : memref<65536x1024xf32, #tpu.memory_space<hbm>> -> memref<1x1024xf32, #tpu.memory_space<hbm>>
    %dma_start3A_89 = tpu.memref_squeeze %dma_start3A_88 : memref<1x1024xf32, #tpu.memory_space<hbm>> -> memref<1024xf32, #tpu.memory_space<hbm>>
    %dma_start3A_90 = arith.constant 0 : i32
    %dma_start3A_91 = tpu.memref_slice %arg4[%add3A_81, %dma_start3A_90] : memref<65536x1024xf32, #tpu.memory_space<hbm>> -> memref<1x1024xf32, #tpu.memory_space<hbm>>
    %dma_start3A_92 = tpu.memref_squeeze %dma_start3A_91 : memref<1x1024xf32, #tpu.memory_space<hbm>> -> memref<1024xf32, #tpu.memory_space<hbm>>
    %dma_start3A_93 = tpu.memref_slice %arg5[%mul3A_85] : memref<33792xf32, #tpu.memory_space<vmem>> -> memref<1024xf32, #tpu.memory_space<vmem>>
    tpu.enqueue_dma source(%dma_start3A_93 : memref<1024xf32, #tpu.memory_space<vmem>>) target(%dma_start3A_92 : memref<1024xf32, #tpu.memory_space<hbm>>) target_semaphore(%arg8 : memref<!tpu.dma_semaphore, #tpu.memory_space<semaphore_mem>>)
    %add3A_94 = arith.constant 6 : i32
    %add3A_95 = arith.addi %mul3A_2, %add3A_94 : i32
    %slice3A_96 = vector.extract_strided_slice %get3A_11 {offsets = [6], sizes = [1], strides = [1]} : vector<16xi32> to vector<1xi32>
    %squeeze3A_97 = vector.extract %slice3A_96[0] : i32 from vector<1xi32>
    %mul3A_98 = arith.constant 1024 : i32
    %mul3A_99 = arith.muli %squeeze3A_97, %mul3A_98 : i32
    %dma_start3A_100 = tpu.memref_slice %arg5[%mul3A_99] : memref<33792xf32, #tpu.memory_space<vmem>> -> memref<1024xf32, #tpu.memory_space<vmem>>
    %dma_start3A_101 = arith.constant 0 : i32
    %dma_start3A_102 = tpu.memref_slice %arg4[%add3A_95, %dma_start3A_101] : memref<65536x1024xf32, #tpu.memory_space<hbm>> -> memref<1x1024xf32, #tpu.memory_space<hbm>>
    %dma_start3A_103 = tpu.memref_squeeze %dma_start3A_102 : memref<1x1024xf32, #tpu.memory_space<hbm>> -> memref<1024xf32, #tpu.memory_space<hbm>>
    %dma_start3A_104 = arith.constant 0 : i32
    %dma_start3A_105 = tpu.memref_slice %arg4[%add3A_95, %dma_start3A_104] : memref<65536x1024xf32, #tpu.memory_space<hbm>> -> memref<1x1024xf32, #tpu.memory_space<hbm>>
    %dma_start3A_106 = tpu.memref_squeeze %dma_start3A_105 : memref<1x1024xf32, #tpu.memory_space<hbm>> -> memref<1024xf32, #tpu.memory_space<hbm>>
    %dma_start3A_107 = tpu.memref_slice %arg5[%mul3A_99] : memref<33792xf32, #tpu.memory_space<vmem>> -> memref<1024xf32, #tpu.memory_space<vmem>>
    tpu.enqueue_dma source(%dma_start3A_107 : memref<1024xf32, #tpu.memory_space<vmem>>) target(%dma_start3A_106 : memref<1024xf32, #tpu.memory_space<hbm>>) target_semaphore(%arg8 : memref<!tpu.dma_semaphore, #tpu.memory_space<semaphore_mem>>)
    %add3A_108 = arith.constant 7 : i32
    %add3A_109 = arith.addi %mul3A_2, %add3A_108 : i32
    %slice3A_110 = vector.extract_strided_slice %get3A_11 {offsets = [7], sizes = [1], strides = [1]} : vector<16xi32> to vector<1xi32>
    %squeeze3A_111 = vector.extract %slice3A_110[0] : i32 from vector<1xi32>
    %mul3A_112 = arith.constant 1024 : i32
    %mul3A_113 = arith.muli %squeeze3A_111, %mul3A_112 : i32
    %dma_start3A_114 = tpu.memref_slice %arg5[%mul3A_113] : memref<33792xf32, #tpu.memory_space<vmem>> -> memref<1024xf32, #tpu.memory_space<vmem>>
    %dma_start3A_115 = arith.constant 0 : i32
    %dma_start3A_116 = tpu.memref_slice %arg4[%add3A_109, %dma_start3A_115] : memref<65536x1024xf32, #tpu.memory_space<hbm>> -> memref<1x1024xf32, #tpu.memory_space<hbm>>
    %dma_start3A_117 = tpu.memref_squeeze %dma_start3A_116 : memref<1x1024xf32, #tpu.memory_space<hbm>> -> memref<1024xf32, #tpu.memory_space<hbm>>
    %dma_start3A_118 = arith.constant 0 : i32
    %dma_start3A_119 = tpu.memref_slice %arg4[%add3A_109, %dma_start3A_118] : memref<65536x1024xf32, #tpu.memory_space<hbm>> -> memref<1x1024xf32, #tpu.memory_space<hbm>>
    %dma_start3A_120 = tpu.memref_squeeze %dma_start3A_119 : memref<1x1024xf32, #tpu.memory_space<hbm>> -> memref<1024xf32, #tpu.memory_space<hbm>>
    %dma_start3A_121 = tpu.memref_slice %arg5[%mul3A_113] : memref<33792xf32, #tpu.memory_space<vmem>> -> memref<1024xf32, #tpu.memory_space<vmem>>
    tpu.enqueue_dma source(%dma_start3A_121 : memref<1024xf32, #tpu.memory_space<vmem>>) target(%dma_start3A_120 : memref<1024xf32, #tpu.memory_space<hbm>>) target_semaphore(%arg8 : memref<!tpu.dma_semaphore, #tpu.memory_space<semaphore_mem>>)
    %add3A_122 = arith.constant 8 : i32
    %add3A_123 = arith.addi %mul3A_2, %add3A_122 : i32
    %slice3A_124 = vector.extract_strided_slice %get3A_11 {offsets = [8], sizes = [1], strides = [1]} : vector<16xi32> to vector<1xi32>
    %squeeze3A_125 = vector.extract %slice3A_124[0] : i32 from vector<1xi32>
    %mul3A_126 = arith.constant 1024 : i32
    %mul3A_127 = arith.muli %squeeze3A_125, %mul3A_126 : i32
    %dma_start3A_128 = tpu.memref_slice %arg5[%mul3A_127] : memref<33792xf32, #tpu.memory_space<vmem>> -> memref<1024xf32, #tpu.memory_space<vmem>>
    %dma_start3A_129 = arith.constant 0 : i32
    %dma_start3A_130 = tpu.memref_slice %arg4[%add3A_123, %dma_start3A_129] : memref<65536x1024xf32, #tpu.memory_space<hbm>> -> memref<1x1024xf32, #tpu.memory_space<hbm>>
    %dma_start3A_131 = tpu.memref_squeeze %dma_start3A_130 : memref<1x1024xf32, #tpu.memory_space<hbm>> -> memref<1024xf32, #tpu.memory_space<hbm>>
    %dma_start3A_132 = arith.constant 0 : i32
    %dma_start3A_133 = tpu.memref_slice %arg4[%add3A_123, %dma_start3A_132] : memref<65536x1024xf32, #tpu.memory_space<hbm>> -> memref<1x1024xf32, #tpu.memory_space<hbm>>
    %dma_start3A_134 = tpu.memref_squeeze %dma_start3A_133 : memref<1x1024xf32, #tpu.memory_space<hbm>> -> memref<1024xf32, #tpu.memory_space<hbm>>
    %dma_start3A_135 = tpu.memref_slice %arg5[%mul3A_127] : memref<33792xf32, #tpu.memory_space<vmem>> -> memref<1024xf32, #tpu.memory_space<vmem>>
    tpu.enqueue_dma source(%dma_start3A_135 : memref<1024xf32, #tpu.memory_space<vmem>>) target(%dma_start3A_134 : memref<1024xf32, #tpu.memory_space<hbm>>) target_semaphore(%arg8 : memref<!tpu.dma_semaphore, #tpu.memory_space<semaphore_mem>>)
    %add3A_136 = arith.constant 9 : i32
    %add3A_137 = arith.addi %mul3A_2, %add3A_136 : i32
    %slice3A_138 = vector.extract_strided_slice %get3A_11 {offsets = [9], sizes = [1], strides = [1]} : vector<16xi32> to vector<1xi32>
    %squeeze3A_139 = vector.extract %slice3A_138[0] : i32 from vector<1xi32>
    %mul3A_140 = arith.constant 1024 : i32
    %mul3A_141 = arith.muli %squeeze3A_139, %mul3A_140 : i32
    %dma_start3A_142 = tpu.memref_slice %arg5[%mul3A_141] : memref<33792xf32, #tpu.memory_space<vmem>> -> memref<1024xf32, #tpu.memory_space<vmem>>
    %dma_start3A_143 = arith.constant 0 : i32
    %dma_start3A_144 = tpu.memref_slice %arg4[%add3A_137, %dma_start3A_143] : memref<65536x1024xf32, #tpu.memory_space<hbm>> -> memref<1x1024xf32, #tpu.memory_space<hbm>>
    %dma_start3A_145 = tpu.memref_squeeze %dma_start3A_144 : memref<1x1024xf32, #tpu.memory_space<hbm>> -> memref<1024xf32, #tpu.memory_space<hbm>>
    %dma_start3A_146 = arith.constant 0 : i32
    %dma_start3A_147 = tpu.memref_slice %arg4[%add3A_137, %dma_start3A_146] : memref<65536x1024xf32, #tpu.memory_space<hbm>> -> memref<1x1024xf32, #tpu.memory_space<hbm>>
    %dma_start3A_148 = tpu.memref_squeeze %dma_start3A_147 : memref<1x1024xf32, #tpu.memory_space<hbm>> -> memref<1024xf32, #tpu.memory_space<hbm>>
    %dma_start3A_149 = tpu.memref_slice %arg5[%mul3A_141] : memref<33792xf32, #tpu.memory_space<vmem>> -> memref<1024xf32, #tpu.memory_space<vmem>>
    tpu.enqueue_dma source(%dma_start3A_149 : memref<1024xf32, #tpu.memory_space<vmem>>) target(%dma_start3A_148 : memref<1024xf32, #tpu.memory_space<hbm>>) target_semaphore(%arg8 : memref<!tpu.dma_semaphore, #tpu.memory_space<semaphore_mem>>)
    %add3A_150 = arith.constant 10 : i32
    %add3A_151 = arith.addi %mul3A_2, %add3A_150 : i32
    %slice3A_152 = vector.extract_strided_slice %get3A_11 {offsets = [10], sizes = [1], strides = [1]} : vector<16xi32> to vector<1xi32>
    %squeeze3A_153 = vector.extract %slice3A_152[0] : i32 from vector<1xi32>
    %mul3A_154 = arith.constant 1024 : i32
    %mul3A_155 = arith.muli %squeeze3A_153, %mul3A_154 : i32
    %dma_start3A_156 = tpu.memref_slice %arg5[%mul3A_155] : memref<33792xf32, #tpu.memory_space<vmem>> -> memref<1024xf32, #tpu.memory_space<vmem>>
    %dma_start3A_157 = arith.constant 0 : i32
    %dma_start3A_158 = tpu.memref_slice %arg4[%add3A_151, %dma_start3A_157] : memref<65536x1024xf32, #tpu.memory_space<hbm>> -> memref<1x1024xf32, #tpu.memory_space<hbm>>
    %dma_start3A_159 = tpu.memref_squeeze %dma_start3A_158 : memref<1x1024xf32, #tpu.memory_space<hbm>> -> memref<1024xf32, #tpu.memory_space<hbm>>
    %dma_start3A_160 = arith.constant 0 : i32
    %dma_start3A_161 = tpu.memref_slice %arg4[%add3A_151, %dma_start3A_160] : memref<65536x1024xf32, #tpu.memory_space<hbm>> -> memref<1x1024xf32, #tpu.memory_space<hbm>>
    %dma_start3A_162 = tpu.memref_squeeze %dma_start3A_161 : memref<1x1024xf32, #tpu.memory_space<hbm>> -> memref<1024xf32, #tpu.memory_space<hbm>>
    %dma_start3A_163 = tpu.memref_slice %arg5[%mul3A_155] : memref<33792xf32, #tpu.memory_space<vmem>> -> memref<1024xf32, #tpu.memory_space<vmem>>
    tpu.enqueue_dma source(%dma_start3A_163 : memref<1024xf32, #tpu.memory_space<vmem>>) target(%dma_start3A_162 : memref<1024xf32, #tpu.memory_space<hbm>>) target_semaphore(%arg8 : memref<!tpu.dma_semaphore, #tpu.memory_space<semaphore_mem>>)
    %add3A_164 = arith.constant 11 : i32
    %add3A_165 = arith.addi %mul3A_2, %add3A_164 : i32
    %slice3A_166 = vector.extract_strided_slice %get3A_11 {offsets = [11], sizes = [1], strides = [1]} : vector<16xi32> to vector<1xi32>
    %squeeze3A_167 = vector.extract %slice3A_166[0] : i32 from vector<1xi32>
    %mul3A_168 = arith.constant 1024 : i32
    %mul3A_169 = arith.muli %squeeze3A_167, %mul3A_168 : i32
    %dma_start3A_170 = tpu.memref_slice %arg5[%mul3A_169] : memref<33792xf32, #tpu.memory_space<vmem>> -> memref<1024xf32, #tpu.memory_space<vmem>>
    %dma_start3A_171 = arith.constant 0 : i32
    %dma_start3A_172 = tpu.memref_slice %arg4[%add3A_165, %dma_start3A_171] : memref<65536x1024xf32, #tpu.memory_space<hbm>> -> memref<1x1024xf32, #tpu.memory_space<hbm>>
    %dma_start3A_173 = tpu.memref_squeeze %dma_start3A_172 : memref<1x1024xf32, #tpu.memory_space<hbm>> -> memref<1024xf32, #tpu.memory_space<hbm>>
    %dma_start3A_174 = arith.constant 0 : i32
    %dma_start3A_175 = tpu.memref_slice %arg4[%add3A_165, %dma_start3A_174] : memref<65536x1024xf32, #tpu.memory_space<hbm>> -> memref<1x1024xf32, #tpu.memory_space<hbm>>
    %dma_start3A_176 = tpu.memref_squeeze %dma_start3A_175 : memref<1x1024xf32, #tpu.memory_space<hbm>> -> memref<1024xf32, #tpu.memory_space<hbm>>
    %dma_start3A_177 = tpu.memref_slice %arg5[%mul3A_169] : memref<33792xf32, #tpu.memory_space<vmem>> -> memref<1024xf32, #tpu.memory_space<vmem>>
    tpu.enqueue_dma source(%dma_start3A_177 : memref<1024xf32, #tpu.memory_space<vmem>>) target(%dma_start3A_176 : memref<1024xf32, #tpu.memory_space<hbm>>) target_semaphore(%arg8 : memref<!tpu.dma_semaphore, #tpu.memory_space<semaphore_mem>>)
    %add3A_178 = arith.constant 12 : i32
    %add3A_179 = arith.addi %mul3A_2, %add3A_178 : i32
    %slice3A_180 = vector.extract_strided_slice %get3A_11 {offsets = [12], sizes = [1], strides = [1]} : vector<16xi32> to vector<1xi32>
    %squeeze3A_181 = vector.extract %slice3A_180[0] : i32 from vector<1xi32>
    %mul3A_182 = arith.constant 1024 : i32
    %mul3A_183 = arith.muli %squeeze3A_181, %mul3A_182 : i32
    %dma_start3A_184 = tpu.memref_slice %arg5[%mul3A_183] : memref<33792xf32, #tpu.memory_space<vmem>> -> memref<1024xf32, #tpu.memory_space<vmem>>
    %dma_start3A_185 = arith.constant 0 : i32
    %dma_start3A_186 = tpu.memref_slice %arg4[%add3A_179, %dma_start3A_185] : memref<65536x1024xf32, #tpu.memory_space<hbm>> -> memref<1x1024xf32, #tpu.memory_space<hbm>>
    %dma_start3A_187 = tpu.memref_squeeze %dma_start3A_186 : memref<1x1024xf32, #tpu.memory_space<hbm>> -> memref<1024xf32, #tpu.memory_space<hbm>>
    %dma_start3A_188 = arith.constant 0 : i32
    %dma_start3A_189 = tpu.memref_slice %arg4[%add3A_179, %dma_start3A_188] : memref<65536x1024xf32, #tpu.memory_space<hbm>> -> memref<1x1024xf32, #tpu.memory_space<hbm>>
    %dma_start3A_190 = tpu.memref_squeeze %dma_start3A_189 : memref<1x1024xf32, #tpu.memory_space<hbm>> -> memref<1024xf32, #tpu.memory_space<hbm>>
    %dma_start3A_191 = tpu.memref_slice %arg5[%mul3A_183] : memref<33792xf32, #tpu.memory_space<vmem>> -> memref<1024xf32, #tpu.memory_space<vmem>>
    tpu.enqueue_dma source(%dma_start3A_191 : memref<1024xf32, #tpu.memory_space<vmem>>) target(%dma_start3A_190 : memref<1024xf32, #tpu.memory_space<hbm>>) target_semaphore(%arg8 : memref<!tpu.dma_semaphore, #tpu.memory_space<semaphore_mem>>)
    %add3A_192 = arith.constant 13 : i32
    %add3A_193 = arith.addi %mul3A_2, %add3A_192 : i32
    %slice3A_194 = vector.extract_strided_slice %get3A_11 {offsets = [13], sizes = [1], strides = [1]} : vector<16xi32> to vector<1xi32>
    %squeeze3A_195 = vector.extract %slice3A_194[0] : i32 from vector<1xi32>
    %mul3A_196 = arith.constant 1024 : i32
    %mul3A_197 = arith.muli %squeeze3A_195, %mul3A_196 : i32
    %dma_start3A_198 = tpu.memref_slice %arg5[%mul3A_197] : memref<33792xf32, #tpu.memory_space<vmem>> -> memref<1024xf32, #tpu.memory_space<vmem>>
    %dma_start3A_199 = arith.constant 0 : i32
    %dma_start3A_200 = tpu.memref_slice %arg4[%add3A_193, %dma_start3A_199] : memref<65536x1024xf32, #tpu.memory_space<hbm>> -> memref<1x1024xf32, #tpu.memory_space<hbm>>
    %dma_start3A_201 = tpu.memref_squeeze %dma_start3A_200 : memref<1x1024xf32, #tpu.memory_space<hbm>> -> memref<1024xf32, #tpu.memory_space<hbm>>
    %dma_start3A_202 = arith.constant 0 : i32
    %dma_start3A_203 = tpu.memref_slice %arg4[%add3A_193, %dma_start3A_202] : memref<65536x1024xf32, #tpu.memory_space<hbm>> -> memref<1x1024xf32, #tpu.memory_space<hbm>>
    %dma_start3A_204 = tpu.memref_squeeze %dma_start3A_203 : memref<1x1024xf32, #tpu.memory_space<hbm>> -> memref<1024xf32, #tpu.memory_space<hbm>>
    %dma_start3A_205 = tpu.memref_slice %arg5[%mul3A_197] : memref<33792xf32, #tpu.memory_space<vmem>> -> memref<1024xf32, #tpu.memory_space<vmem>>
    tpu.enqueue_dma source(%dma_start3A_205 : memref<1024xf32, #tpu.memory_space<vmem>>) target(%dma_start3A_204 : memref<1024xf32, #tpu.memory_space<hbm>>) target_semaphore(%arg8 : memref<!tpu.dma_semaphore, #tpu.memory_space<semaphore_mem>>)
    %add3A_206 = arith.constant 14 : i32
    %add3A_207 = arith.addi %mul3A_2, %add3A_206 : i32
    %slice3A_208 = vector.extract_strided_slice %get3A_11 {offsets = [14], sizes = [1], strides = [1]} : vector<16xi32> to vector<1xi32>
    %squeeze3A_209 = vector.extract %slice3A_208[0] : i32 from vector<1xi32>
    %mul3A_210 = arith.constant 1024 : i32
    %mul3A_211 = arith.muli %squeeze3A_209, %mul3A_210 : i32
    %dma_start3A_212 = tpu.memref_slice %arg5[%mul3A_211] : memref<33792xf32, #tpu.memory_space<vmem>> -> memref<1024xf32, #tpu.memory_space<vmem>>
    %dma_start3A_213 = arith.constant 0 : i32
    %dma_start3A_214 = tpu.memref_slice %arg4[%add3A_207, %dma_start3A_213] : memref<65536x1024xf32, #tpu.memory_space<hbm>> -> memref<1x1024xf32, #tpu.memory_space<hbm>>
    %dma_start3A_215 = tpu.memref_squeeze %dma_start3A_214 : memref<1x1024xf32, #tpu.memory_space<hbm>> -> memref<1024xf32, #tpu.memory_space<hbm>>
    %dma_start3A_216 = arith.constant 0 : i32
    %dma_start3A_217 = tpu.memref_slice %arg4[%add3A_207, %dma_start3A_216] : memref<65536x1024xf32, #tpu.memory_space<hbm>> -> memref<1x1024xf32, #tpu.memory_space<hbm>>
    %dma_start3A_218 = tpu.memref_squeeze %dma_start3A_217 : memref<1x1024xf32, #tpu.memory_space<hbm>> -> memref<1024xf32, #tpu.memory_space<hbm>>
    %dma_start3A_219 = tpu.memref_slice %arg5[%mul3A_211] : memref<33792xf32, #tpu.memory_space<vmem>> -> memref<1024xf32, #tpu.memory_space<vmem>>
    tpu.enqueue_dma source(%dma_start3A_219 : memref<1024xf32, #tpu.memory_space<vmem>>) target(%dma_start3A_218 : memref<1024xf32, #tpu.memory_space<hbm>>) target_semaphore(%arg8 : memref<!tpu.dma_semaphore, #tpu.memory_space<semaphore_mem>>)
    %add3A_220 = arith.constant 15 : i32
    %add3A_221 = arith.addi %mul3A_2, %add3A_220 : i32
    %slice3A_222 = vector.extract_strided_slice %get3A_11 {offsets = [15], sizes = [1], strides = [1]} : vector<16xi32> to vector<1xi32>
    %squeeze3A_223 = vector.extract %slice3A_222[0] : i32 from vector<1xi32>
    %mul3A_224 = arith.constant 1024 : i32
    %mul3A_225 = arith.muli %squeeze3A_223, %mul3A_224 : i32
    %dma_start3A_226 = tpu.memref_slice %arg5[%mul3A_225] : memref<33792xf32, #tpu.memory_space<vmem>> -> memref<1024xf32, #tpu.memory_space<vmem>>
    %dma_start3A_227 = arith.constant 0 : i32
    %dma_start3A_228 = tpu.memref_slice %arg4[%add3A_221, %dma_start3A_227] : memref<65536x1024xf32, #tpu.memory_space<hbm>> -> memref<1x1024xf32, #tpu.memory_space<hbm>>
    %dma_start3A_229 = tpu.memref_squeeze %dma_start3A_228 : memref<1x1024xf32, #tpu.memory_space<hbm>> -> memref<1024xf32, #tpu.memory_space<hbm>>
    %dma_start3A_230 = arith.constant 0 : i32
    %dma_start3A_231 = tpu.memref_slice %arg4[%add3A_221, %dma_start3A_230] : memref<65536x1024xf32, #tpu.memory_space<hbm>> -> memref<1x1024xf32, #tpu.memory_space<hbm>>
    %dma_start3A_232 = tpu.memref_squeeze %dma_start3A_231 : memref<1x1024xf32, #tpu.memory_space<hbm>> -> memref<1024xf32, #tpu.memory_space<hbm>>
    %dma_start3A_233 = tpu.memref_slice %arg5[%mul3A_225] : memref<33792xf32, #tpu.memory_space<vmem>> -> memref<1024xf32, #tpu.memory_space<vmem>>
    tpu.enqueue_dma source(%dma_start3A_233 : memref<1024xf32, #tpu.memory_space<vmem>>) target(%dma_start3A_232 : memref<1024xf32, #tpu.memory_space<hbm>>) target_semaphore(%arg8 : memref<!tpu.dma_semaphore, #tpu.memory_space<semaphore_mem>>)
    %scan3A_234 = arith.constant 0 : i32
    %scan3A_235 = arith.constant 1 : i32
    %scan3A_236 = arith.constant 127 : i32
    %scan3A_237 = arith.addi %scan3A_235, %scan3A_236 : i32
    %scan3A_238 = arith.constant 1 : i32
    scf.for %scan3A_416 = %scan3A_235 to %scan3A_237 step %scan3A_238  : i32 {
      %mul3A_417 = arith.constant 16 : i32
      %mul3A_418 = arith.muli %scan3A_416, %mul3A_417 : i32
      %get3A_419 = arith.index_cast %mul3A_418 : i32 to index
      %get3A_420 = tpu.vector_load %arg6[%get3A_419] {strides = array<i32>} : memref<2048xi32, #tpu.memory_space<vmem>>, vector<16xi32>,
      %get3A_421 = vector.shape_cast %get3A_420 : vector<16xi32> to vector<16xi32>
      %mul3A_422 = arith.constant 16 : i32
      %mul3A_423 = arith.muli %scan3A_416, %mul3A_422 : i32
      %add3A_424 = arith.addi %mul3A_2, %mul3A_423 : i32
      %dma_wait3A_425 = arith.constant 0 : i32
      %dma_wait3A_426 = arith.constant 0 : i32
      %dma_wait3A_427 = tpu.memref_slice %arg5[%dma_wait3A_426] : memref<33792xf32, #tpu.memory_space<vmem>> -> memref<1024xf32, #tpu.memory_space<vmem>>
      %dma_wait3A_428 = arith.constant 0 : i32
      %dma_wait3A_429 = tpu.memref_slice %arg4[%dma_wait3A_425, %dma_wait3A_428] : memref<65536x1024xf32, #tpu.memory_space<hbm>> -> memref<1x1024xf32, #tpu.memory_space<hbm>>
      %dma_wait3A_430 = tpu.memref_squeeze %dma_wait3A_429 : memref<1x1024xf32, #tpu.memory_space<hbm>> -> memref<1024xf32, #tpu.memory_space<hbm>>
      %dma_wait3A_431 = arith.constant 0 : i32
      %dma_wait3A_432 = tpu.memref_slice %arg4[%dma_wait3A_425, %dma_wait3A_431] : memref<65536x1024xf32, #tpu.memory_space<hbm>> -> memref<1x1024xf32, #tpu.memory_space<hbm>>
      %dma_wait3A_433 = tpu.memref_squeeze %dma_wait3A_432 : memref<1x1024xf32, #tpu.memory_space<hbm>> -> memref<1024xf32, #tpu.memory_space<hbm>>
      %dma_wait3A_434 = arith.constant 0 : i32
      %dma_wait3A_435 = tpu.memref_slice %arg5[%dma_wait3A_434] : memref<33792xf32, #tpu.memory_space<vmem>> -> memref<1024xf32, #tpu.memory_space<vmem>>
      tpu.wait_dma2 semaphore(%arg8 : memref<!tpu.dma_semaphore, #tpu.memory_space<semaphore_mem>>) src(%dma_wait3A_435 : memref<1024xf32, #tpu.memory_space<vmem>>) dst(%dma_wait3A_433 : memref<1024xf32, #tpu.memory_space<hbm>>)
      %add3A_436 = arith.constant 0 : i32
      %add3A_437 = arith.addi %add3A_424, %add3A_436 : i32
      %slice3A_438 = vector.extract_strided_slice %get3A_421 {offsets = [0], sizes = [1], strides = [1]} : vector<16xi32> to vector<1xi32>
      %squeeze3A_439 = vector.extract %slice3A_438[0] : i32 from vector<1xi32>
      %mul3A_440 = arith.constant 1024 : i32
      %mul3A_441 = arith.muli %squeeze3A_439, %mul3A_440 : i32
      %dma_start3A_442 = tpu.memref_slice %arg5[%mul3A_441] : memref<33792xf32, #tpu.memory_space<vmem>> -> memref<1024xf32, #tpu.memory_space<vmem>>
      %dma_start3A_443 = arith.constant 0 : i32
      %dma_start3A_444 = tpu.memref_slice %arg4[%add3A_437, %dma_start3A_443] : memref<65536x1024xf32, #tpu.memory_space<hbm>> -> memref<1x1024xf32, #tpu.memory_space<hbm>>
      %dma_start3A_445 = tpu.memref_squeeze %dma_start3A_444 : memref<1x1024xf32, #tpu.memory_space<hbm>> -> memref<1024xf32, #tpu.memory_space<hbm>>
      %dma_start3A_446 = arith.constant 0 : i32
      %dma_start3A_447 = tpu.memref_slice %arg4[%add3A_437, %dma_start3A_446] : memref<65536x1024xf32, #tpu.memory_space<hbm>> -> memref<1x1024xf32, #tpu.memory_space<hbm>>
      %dma_start3A_448 = tpu.memref_squeeze %dma_start3A_447 : memref<1x1024xf32, #tpu.memory_space<hbm>> -> memref<1024xf32, #tpu.memory_space<hbm>>
      %dma_start3A_449 = tpu.memref_slice %arg5[%mul3A_441] : memref<33792xf32, #tpu.memory_space<vmem>> -> memref<1024xf32, #tpu.memory_space<vmem>>
      tpu.enqueue_dma source(%dma_start3A_449 : memref<1024xf32, #tpu.memory_space<vmem>>) target(%dma_start3A_448 : memref<1024xf32, #tpu.memory_space<hbm>>) target_semaphore(%arg8 : memref<!tpu.dma_semaphore, #tpu.memory_space<semaphore_mem>>)
      %dma_wait3A_450 = arith.constant 0 : i32
      %dma_wait3A_451 = arith.constant 0 : i32
      %dma_wait3A_452 = tpu.memref_slice %arg5[%dma_wait3A_451] : memref<33792xf32, #tpu.memory_space<vmem>> -> memref<1024xf32, #tpu.memory_space<vmem>>
      %dma_wait3A_453 = arith.constant 0 : i32
      %dma_wait3A_454 = tpu.memref_slice %arg4[%dma_wait3A_450, %dma_wait3A_453] : memref<65536x1024xf32, #tpu.memory_space<hbm>> -> memref<1x1024xf32, #tpu.memory_space<hbm>>
      %dma_wait3A_455 = tpu.memref_squeeze %dma_wait3A_454 : memref<1x1024xf32, #tpu.memory_space<hbm>> -> memref<1024xf32, #tpu.memory_space<hbm>>
      %dma_wait3A_456 = arith.constant 0 : i32
      %dma_wait3A_457 = tpu.memref_slice %arg4[%dma_wait3A_450, %dma_wait3A_456] : memref<65536x1024xf32, #tpu.memory_space<hbm>> -> memref<1x1024xf32, #tpu.memory_space<hbm>>
      %dma_wait3A_458 = tpu.memref_squeeze %dma_wait3A_457 : memref<1x1024xf32, #tpu.memory_space<hbm>> -> memref<1024xf32, #tpu.memory_space<hbm>>
      %dma_wait3A_459 = arith.constant 0 : i32
      %dma_wait3A_460 = tpu.memref_slice %arg5[%dma_wait3A_459] : memref<33792xf32, #tpu.memory_space<vmem>> -> memref<1024xf32, #tpu.memory_space<vmem>>
      tpu.wait_dma2 semaphore(%arg8 : memref<!tpu.dma_semaphore, #tpu.memory_space<semaphore_mem>>) src(%dma_wait3A_460 : memref<1024xf32, #tpu.memory_space<vmem>>) dst(%dma_wait3A_458 : memref<1024xf32, #tpu.memory_space<hbm>>)
      %add3A_461 = arith.constant 1 : i32
      %add3A_462 = arith.addi %add3A_424, %add3A_461 : i32
      %slice3A_463 = vector.extract_strided_slice %get3A_421 {offsets = [1], sizes = [1], strides = [1]} : vector<16xi32> to vector<1xi32>
      %squeeze3A_464 = vector.extract %slice3A_463[0] : i32 from vector<1xi32>
      %mul3A_465 = arith.constant 1024 : i32
      %mul3A_466 = arith.muli %squeeze3A_464, %mul3A_465 : i32
      %dma_start3A_467 = tpu.memref_slice %arg5[%mul3A_466] : memref<33792xf32, #tpu.memory_space<vmem>> -> memref<1024xf32, #tpu.memory_space<vmem>>
      %dma_start3A_468 = arith.constant 0 : i32
      %dma_start3A_469 = tpu.memref_slice %arg4[%add3A_462, %dma_start3A_468] : memref<65536x1024xf32, #tpu.memory_space<hbm>> -> memref<1x1024xf32, #tpu.memory_space<hbm>>
      %dma_start3A_470 = tpu.memref_squeeze %dma_start3A_469 : memref<1x1024xf32, #tpu.memory_space<hbm>> -> memref<1024xf32, #tpu.memory_space<hbm>>
      %dma_start3A_471 = arith.constant 0 : i32
      %dma_start3A_472 = tpu.memref_slice %arg4[%add3A_462, %dma_start3A_471] : memref<65536x1024xf32, #tpu.memory_space<hbm>> -> memref<1x1024xf32, #tpu.memory_space<hbm>>
      %dma_start3A_473 = tpu.memref_squeeze %dma_start3A_472 : memref<1x1024xf32, #tpu.memory_space<hbm>> -> memref<1024xf32, #tpu.memory_space<hbm>>
      %dma_start3A_474 = tpu.memref_slice %arg5[%mul3A_466] : memref<33792xf32, #tpu.memory_space<vmem>> -> memref<1024xf32, #tpu.memory_space<vmem>>
      tpu.enqueue_dma source(%dma_start3A_474 : memref<1024xf32, #tpu.memory_space<vmem>>) target(%dma_start3A_473 : memref<1024xf32, #tpu.memory_space<hbm>>) target_semaphore(%arg8 : memref<!tpu.dma_semaphore, #tpu.memory_space<semaphore_mem>>)
      %dma_wait3A_475 = arith.constant 0 : i32
      %dma_wait3A_476 = arith.constant 0 : i32
      %dma_wait3A_477 = tpu.memref_slice %arg5[%dma_wait3A_476] : memref<33792xf32, #tpu.memory_space<vmem>> -> memref<1024xf32, #tpu.memory_space<vmem>>
      %dma_wait3A_478 = arith.constant 0 : i32
      %dma_wait3A_479 = tpu.memref_slice %arg4[%dma_wait3A_475, %dma_wait3A_478] : memref<65536x1024xf32, #tpu.memory_space<hbm>> -> memref<1x1024xf32, #tpu.memory_space<hbm>>
      %dma_wait3A_480 = tpu.memref_squeeze %dma_wait3A_479 : memref<1x1024xf32, #tpu.memory_space<hbm>> -> memref<1024xf32, #tpu.memory_space<hbm>>
      %dma_wait3A_481 = arith.constant 0 : i32
      %dma_wait3A_482 = tpu.memref_slice %arg4[%dma_wait3A_475, %dma_wait3A_481] : memref<65536x1024xf32, #tpu.memory_space<hbm>> -> memref<1x1024xf32, #tpu.memory_space<hbm>>
      %dma_wait3A_483 = tpu.memref_squeeze %dma_wait3A_482 : memref<1x1024xf32, #tpu.memory_space<hbm>> -> memref<1024xf32, #tpu.memory_space<hbm>>
      %dma_wait3A_484 = arith.constant 0 : i32
      %dma_wait3A_485 = tpu.memref_slice %arg5[%dma_wait3A_484] : memref<33792xf32, #tpu.memory_space<vmem>> -> memref<1024xf32, #tpu.memory_space<vmem>>
      tpu.wait_dma2 semaphore(%arg8 : memref<!tpu.dma_semaphore, #tpu.memory_space<semaphore_mem>>) src(%dma_wait3A_485 : memref<1024xf32, #tpu.memory_space<vmem>>) dst(%dma_wait3A_483 : memref<1024xf32, #tpu.memory_space<hbm>>)
      %add3A_486 = arith.constant 2 : i32
      %add3A_487 = arith.addi %add3A_424, %add3A_486 : i32
      %slice3A_488 = vector.extract_strided_slice %get3A_421 {offsets = [2], sizes = [1], strides = [1]} : vector<16xi32> to vector<1xi32>
      %squeeze3A_489 = vector.extract %slice3A_488[0] : i32 from vector<1xi32>
      %mul3A_490 = arith.constant 1024 : i32
      %mul3A_491 = arith.muli %squeeze3A_489, %mul3A_490 : i32
      %dma_start3A_492 = tpu.memref_slice %arg5[%mul3A_491] : memref<33792xf32, #tpu.memory_space<vmem>> -> memref<1024xf32, #tpu.memory_space<vmem>>
      %dma_start3A_493 = arith.constant 0 : i32
      %dma_start3A_494 = tpu.memref_slice %arg4[%add3A_487, %dma_start3A_493] : memref<65536x1024xf32, #tpu.memory_space<hbm>> -> memref<1x1024xf32, #tpu.memory_space<hbm>>
      %dma_start3A_495 = tpu.memref_squeeze %dma_start3A_494 : memref<1x1024xf32, #tpu.memory_space<hbm>> -> memref<1024xf32, #tpu.memory_space<hbm>>
      %dma_start3A_496 = arith.constant 0 : i32
      %dma_start3A_497 = tpu.memref_slice %arg4[%add3A_487, %dma_start3A_496] : memref<65536x1024xf32, #tpu.memory_space<hbm>> -> memref<1x1024xf32, #tpu.memory_space<hbm>>
      %dma_start3A_498 = tpu.memref_squeeze %dma_start3A_497 : memref<1x1024xf32, #tpu.memory_space<hbm>> -> memref<1024xf32, #tpu.memory_space<hbm>>
      %dma_start3A_499 = tpu.memref_slice %arg5[%mul3A_491] : memref<33792xf32, #tpu.memory_space<vmem>> -> memref<1024xf32, #tpu.memory_space<vmem>>
      tpu.enqueue_dma source(%dma_start3A_499 : memref<1024xf32, #tpu.memory_space<vmem>>) target(%dma_start3A_498 : memref<1024xf32, #tpu.memory_space<hbm>>) target_semaphore(%arg8 : memref<!tpu.dma_semaphore, #tpu.memory_space<semaphore_mem>>)
      %dma_wait3A_500 = arith.constant 0 : i32
      %dma_wait3A_501 = arith.constant 0 : i32
      %dma_wait3A_502 = tpu.memref_slice %arg5[%dma_wait3A_501] : memref<33792xf32, #tpu.memory_space<vmem>> -> memref<1024xf32, #tpu.memory_space<vmem>>
      %dma_wait3A_503 = arith.constant 0 : i32
      %dma_wait3A_504 = tpu.memref_slice %arg4[%dma_wait3A_500, %dma_wait3A_503] : memref<65536x1024xf32, #tpu.memory_space<hbm>> -> memref<1x1024xf32, #tpu.memory_space<hbm>>
      %dma_wait3A_505 = tpu.memref_squeeze %dma_wait3A_504 : memref<1x1024xf32, #tpu.memory_space<hbm>> -> memref<1024xf32, #tpu.memory_space<hbm>>
      %dma_wait3A_506 = arith.constant 0 : i32
      %dma_wait3A_507 = tpu.memref_slice %arg4[%dma_wait3A_500, %dma_wait3A_506] : memref<65536x1024xf32, #tpu.memory_space<hbm>> -> memref<1x1024xf32, #tpu.memory_space<hbm>>
      %dma_wait3A_508 = tpu.memref_squeeze %dma_wait3A_507 : memref<1x1024xf32, #tpu.memory_space<hbm>> -> memref<1024xf32, #tpu.memory_space<hbm>>
      %dma_wait3A_509 = arith.constant 0 : i32
      %dma_wait3A_510 = tpu.memref_slice %arg5[%dma_wait3A_509] : memref<33792xf32, #tpu.memory_space<vmem>> -> memref<1024xf32, #tpu.memory_space<vmem>>
      tpu.wait_dma2 semaphore(%arg8 : memref<!tpu.dma_semaphore, #tpu.memory_space<semaphore_mem>>) src(%dma_wait3A_510 : memref<1024xf32, #tpu.memory_space<vmem>>) dst(%dma_wait3A_508 : memref<1024xf32, #tpu.memory_space<hbm>>)
      %add3A_511 = arith.constant 3 : i32
      %add3A_512 = arith.addi %add3A_424, %add3A_511 : i32
      %slice3A_513 = vector.extract_strided_slice %get3A_421 {offsets = [3], sizes = [1], strides = [1]} : vector<16xi32> to vector<1xi32>
      %squeeze3A_514 = vector.extract %slice3A_513[0] : i32 from vector<1xi32>
      %mul3A_515 = arith.constant 1024 : i32
      %mul3A_516 = arith.muli %squeeze3A_514, %mul3A_515 : i32
      %dma_start3A_517 = tpu.memref_slice %arg5[%mul3A_516] : memref<33792xf32, #tpu.memory_space<vmem>> -> memref<1024xf32, #tpu.memory_space<vmem>>
      %dma_start3A_518 = arith.constant 0 : i32
      %dma_start3A_519 = tpu.memref_slice %arg4[%add3A_512, %dma_start3A_518] : memref<65536x1024xf32, #tpu.memory_space<hbm>> -> memref<1x1024xf32, #tpu.memory_space<hbm>>
      %dma_start3A_520 = tpu.memref_squeeze %dma_start3A_519 : memref<1x1024xf32, #tpu.memory_space<hbm>> -> memref<1024xf32, #tpu.memory_space<hbm>>
      %dma_start3A_521 = arith.constant 0 : i32
      %dma_start3A_522 = tpu.memref_slice %arg4[%add3A_512, %dma_start3A_521] : memref<65536x1024xf32, #tpu.memory_space<hbm>> -> memref<1x1024xf32, #tpu.memory_space<hbm>>
      %dma_start3A_523 = tpu.memref_squeeze %dma_start3A_522 : memref<1x1024xf32, #tpu.memory_space<hbm>> -> memref<1024xf32, #tpu.memory_space<hbm>>
      %dma_start3A_524 = tpu.memref_slice %arg5[%mul3A_516] : memref<33792xf32, #tpu.memory_space<vmem>> -> memref<1024xf32, #tpu.memory_space<vmem>>
      tpu.enqueue_dma source(%dma_start3A_524 : memref<1024xf32, #tpu.memory_space<vmem>>) target(%dma_start3A_523 : memref<1024xf32, #tpu.memory_space<hbm>>) target_semaphore(%arg8 : memref<!tpu.dma_semaphore, #tpu.memory_space<semaphore_mem>>)
      %dma_wait3A_525 = arith.constant 0 : i32
      %dma_wait3A_526 = arith.constant 0 : i32
      %dma_wait3A_527 = tpu.memref_slice %arg5[%dma_wait3A_526] : memref<33792xf32, #tpu.memory_space<vmem>> -> memref<1024xf32, #tpu.memory_space<vmem>>
      %dma_wait3A_528 = arith.constant 0 : i32
      %dma_wait3A_529 = tpu.memref_slice %arg4[%dma_wait3A_525, %dma_wait3A_528] : memref<65536x1024xf32, #tpu.memory_space<hbm>> -> memref<1x1024xf32, #tpu.memory_space<hbm>>
      %dma_wait3A_530 = tpu.memref_squeeze %dma_wait3A_529 : memref<1x1024xf32, #tpu.memory_space<hbm>> -> memref<1024xf32, #tpu.memory_space<hbm>>
      %dma_wait3A_531 = arith.constant 0 : i32
      %dma_wait3A_532 = tpu.memref_slice %arg4[%dma_wait3A_525, %dma_wait3A_531] : memref<65536x1024xf32, #tpu.memory_space<hbm>> -> memref<1x1024xf32, #tpu.memory_space<hbm>>
      %dma_wait3A_533 = tpu.memref_squeeze %dma_wait3A_532 : memref<1x1024xf32, #tpu.memory_space<hbm>> -> memref<1024xf32, #tpu.memory_space<hbm>>
      %dma_wait3A_534 = arith.constant 0 : i32
      %dma_wait3A_535 = tpu.memref_slice %arg5[%dma_wait3A_534] : memref<33792xf32, #tpu.memory_space<vmem>> -> memref<1024xf32, #tpu.memory_space<vmem>>
      tpu.wait_dma2 semaphore(%arg8 : memref<!tpu.dma_semaphore, #tpu.memory_space<semaphore_mem>>) src(%dma_wait3A_535 : memref<1024xf32, #tpu.memory_space<vmem>>) dst(%dma_wait3A_533 : memref<1024xf32, #tpu.memory_space<hbm>>)
      %add3A_536 = arith.constant 4 : i32
      %add3A_537 = arith.addi %add3A_424, %add3A_536 : i32
      %slice3A_538 = vector.extract_strided_slice %get3A_421 {offsets = [4], sizes = [1], strides = [1]} : vector<16xi32> to vector<1xi32>
      %squeeze3A_539 = vector.extract %slice3A_538[0] : i32 from vector<1xi32>
      %mul3A_540 = arith.constant 1024 : i32
      %mul3A_541 = arith.muli %squeeze3A_539, %mul3A_540 : i32
      %dma_start3A_542 = tpu.memref_slice %arg5[%mul3A_541] : memref<33792xf32, #tpu.memory_space<vmem>> -> memref<1024xf32, #tpu.memory_space<vmem>>
      %dma_start3A_543 = arith.constant 0 : i32
      %dma_start3A_544 = tpu.memref_slice %arg4[%add3A_537, %dma_start3A_543] : memref<65536x1024xf32, #tpu.memory_space<hbm>> -> memref<1x1024xf32, #tpu.memory_space<hbm>>
      %dma_start3A_545 = tpu.memref_squeeze %dma_start3A_544 : memref<1x1024xf32, #tpu.memory_space<hbm>> -> memref<1024xf32, #tpu.memory_space<hbm>>
      %dma_start3A_546 = arith.constant 0 : i32
      %dma_start3A_547 = tpu.memref_slice %arg4[%add3A_537, %dma_start3A_546] : memref<65536x1024xf32, #tpu.memory_space<hbm>> -> memref<1x1024xf32, #tpu.memory_space<hbm>>
      %dma_start3A_548 = tpu.memref_squeeze %dma_start3A_547 : memref<1x1024xf32, #tpu.memory_space<hbm>> -> memref<1024xf32, #tpu.memory_space<hbm>>
      %dma_start3A_549 = tpu.memref_slice %arg5[%mul3A_541] : memref<33792xf32, #tpu.memory_space<vmem>> -> memref<1024xf32, #tpu.memory_space<vmem>>
      tpu.enqueue_dma source(%dma_start3A_549 : memref<1024xf32, #tpu.memory_space<vmem>>) target(%dma_start3A_548 : memref<1024xf32, #tpu.memory_space<hbm>>) target_semaphore(%arg8 : memref<!tpu.dma_semaphore, #tpu.memory_space<semaphore_mem>>)
      %dma_wait3A_550 = arith.constant 0 : i32
      %dma_wait3A_551 = arith.constant 0 : i32
      %dma_wait3A_552 = tpu.memref_slice %arg5[%dma_wait3A_551] : memref<33792xf32, #tpu.memory_space<vmem>> -> memref<1024xf32, #tpu.memory_space<vmem>>
      %dma_wait3A_553 = arith.constant 0 : i32
      %dma_wait3A_554 = tpu.memref_slice %arg4[%dma_wait3A_550, %dma_wait3A_553] : memref<65536x1024xf32, #tpu.memory_space<hbm>> -> memref<1x1024xf32, #tpu.memory_space<hbm>>
      %dma_wait3A_555 = tpu.memref_squeeze %dma_wait3A_554 : memref<1x1024xf32, #tpu.memory_space<hbm>> -> memref<1024xf32, #tpu.memory_space<hbm>>
      %dma_wait3A_556 = arith.constant 0 : i32
      %dma_wait3A_557 = tpu.memref_slice %arg4[%dma_wait3A_550, %dma_wait3A_556] : memref<65536x1024xf32, #tpu.memory_space<hbm>> -> memref<1x1024xf32, #tpu.memory_space<hbm>>
      %dma_wait3A_558 = tpu.memref_squeeze %dma_wait3A_557 : memref<1x1024xf32, #tpu.memory_space<hbm>> -> memref<1024xf32, #tpu.memory_space<hbm>>
      %dma_wait3A_559 = arith.constant 0 : i32
      %dma_wait3A_560 = tpu.memref_slice %arg5[%dma_wait3A_559] : memref<33792xf32, #tpu.memory_space<vmem>> -> memref<1024xf32, #tpu.memory_space<vmem>>
      tpu.wait_dma2 semaphore(%arg8 : memref<!tpu.dma_semaphore, #tpu.memory_space<semaphore_mem>>) src(%dma_wait3A_560 : memref<1024xf32, #tpu.memory_space<vmem>>) dst(%dma_wait3A_558 : memref<1024xf32, #tpu.memory_space<hbm>>)
      %add3A_561 = arith.constant 5 : i32
      %add3A_562 = arith.addi %add3A_424, %add3A_561 : i32
      %slice3A_563 = vector.extract_strided_slice %get3A_421 {offsets = [5], sizes = [1], strides = [1]} : vector<16xi32> to vector<1xi32>
      %squeeze3A_564 = vector.extract %slice3A_563[0] : i32 from vector<1xi32>
      %mul3A_565 = arith.constant 1024 : i32
      %mul3A_566 = arith.muli %squeeze3A_564, %mul3A_565 : i32
      %dma_start3A_567 = tpu.memref_slice %arg5[%mul3A_566] : memref<33792xf32, #tpu.memory_space<vmem>> -> memref<1024xf32, #tpu.memory_space<vmem>>
      %dma_start3A_568 = arith.constant 0 : i32
      %dma_start3A_569 = tpu.memref_slice %arg4[%add3A_562, %dma_start3A_568] : memref<65536x1024xf32, #tpu.memory_space<hbm>> -> memref<1x1024xf32, #tpu.memory_space<hbm>>
      %dma_start3A_570 = tpu.memref_squeeze %dma_start3A_569 : memref<1x1024xf32, #tpu.memory_space<hbm>> -> memref<1024xf32, #tpu.memory_space<hbm>>
      %dma_start3A_571 = arith.constant 0 : i32
      %dma_start3A_572 = tpu.memref_slice %arg4[%add3A_562, %dma_start3A_571] : memref<65536x1024xf32, #tpu.memory_space<hbm>> -> memref<1x1024xf32, #tpu.memory_space<hbm>>
      %dma_start3A_573 = tpu.memref_squeeze %dma_start3A_572 : memref<1x1024xf32, #tpu.memory_space<hbm>> -> memref<1024xf32, #tpu.memory_space<hbm>>
      %dma_start3A_574 = tpu.memref_slice %arg5[%mul3A_566] : memref<33792xf32, #tpu.memory_space<vmem>> -> memref<1024xf32, #tpu.memory_space<vmem>>
      tpu.enqueue_dma source(%dma_start3A_574 : memref<1024xf32, #tpu.memory_space<vmem>>) target(%dma_start3A_573 : memref<1024xf32, #tpu.memory_space<hbm>>) target_semaphore(%arg8 : memref<!tpu.dma_semaphore, #tpu.memory_space<semaphore_mem>>)
      %dma_wait3A_575 = arith.constant 0 : i32
      %dma_wait3A_576 = arith.constant 0 : i32
      %dma_wait3A_577 = tpu.memref_slice %arg5[%dma_wait3A_576] : memref<33792xf32, #tpu.memory_space<vmem>> -> memref<1024xf32, #tpu.memory_space<vmem>>
      %dma_wait3A_578 = arith.constant 0 : i32
      %dma_wait3A_579 = tpu.memref_slice %arg4[%dma_wait3A_575, %dma_wait3A_578] : memref<65536x1024xf32, #tpu.memory_space<hbm>> -> memref<1x1024xf32, #tpu.memory_space<hbm>>
      %dma_wait3A_580 = tpu.memref_squeeze %dma_wait3A_579 : memref<1x1024xf32, #tpu.memory_space<hbm>> -> memref<1024xf32, #tpu.memory_space<hbm>>
      %dma_wait3A_581 = arith.constant 0 : i32
      %dma_wait3A_582 = tpu.memref_slice %arg4[%dma_wait3A_575, %dma_wait3A_581] : memref<65536x1024xf32, #tpu.memory_space<hbm>> -> memref<1x1024xf32, #tpu.memory_space<hbm>>
      %dma_wait3A_583 = tpu.memref_squeeze %dma_wait3A_582 : memref<1x1024xf32, #tpu.memory_space<hbm>> -> memref<1024xf32, #tpu.memory_space<hbm>>
      %dma_wait3A_584 = arith.constant 0 : i32
      %dma_wait3A_585 = tpu.memref_slice %arg5[%dma_wait3A_584] : memref<33792xf32, #tpu.memory_space<vmem>> -> memref<1024xf32, #tpu.memory_space<vmem>>
      tpu.wait_dma2 semaphore(%arg8 : memref<!tpu.dma_semaphore, #tpu.memory_space<semaphore_mem>>) src(%dma_wait3A_585 : memref<1024xf32, #tpu.memory_space<vmem>>) dst(%dma_wait3A_583 : memref<1024xf32, #tpu.memory_space<hbm>>)
      %add3A_586 = arith.constant 6 : i32
      %add3A_587 = arith.addi %add3A_424, %add3A_586 : i32
      %slice3A_588 = vector.extract_strided_slice %get3A_421 {offsets = [6], sizes = [1], strides = [1]} : vector<16xi32> to vector<1xi32>
      %squeeze3A_589 = vector.extract %slice3A_588[0] : i32 from vector<1xi32>
      %mul3A_590 = arith.constant 1024 : i32
      %mul3A_591 = arith.muli %squeeze3A_589, %mul3A_590 : i32
      %dma_start3A_592 = tpu.memref_slice %arg5[%mul3A_591] : memref<33792xf32, #tpu.memory_space<vmem>> -> memref<1024xf32, #tpu.memory_space<vmem>>
      %dma_start3A_593 = arith.constant 0 : i32
      %dma_start3A_594 = tpu.memref_slice %arg4[%add3A_587, %dma_start3A_593] : memref<65536x1024xf32, #tpu.memory_space<hbm>> -> memref<1x1024xf32, #tpu.memory_space<hbm>>
      %dma_start3A_595 = tpu.memref_squeeze %dma_start3A_594 : memref<1x1024xf32, #tpu.memory_space<hbm>> -> memref<1024xf32, #tpu.memory_space<hbm>>
      %dma_start3A_596 = arith.constant 0 : i32
      %dma_start3A_597 = tpu.memref_slice %arg4[%add3A_587, %dma_start3A_596] : memref<65536x1024xf32, #tpu.memory_space<hbm>> -> memref<1x1024xf32, #tpu.memory_space<hbm>>
      %dma_start3A_598 = tpu.memref_squeeze %dma_start3A_597 : memref<1x1024xf32, #tpu.memory_space<hbm>> -> memref<1024xf32, #tpu.memory_space<hbm>>
      %dma_start3A_599 = tpu.memref_slice %arg5[%mul3A_591] : memref<33792xf32, #tpu.memory_space<vmem>> -> memref<1024xf32, #tpu.memory_space<vmem>>
      tpu.enqueue_dma source(%dma_start3A_599 : memref<1024xf32, #tpu.memory_space<vmem>>) target(%dma_start3A_598 : memref<1024xf32, #tpu.memory_space<hbm>>) target_semaphore(%arg8 : memref<!tpu.dma_semaphore, #tpu.memory_space<semaphore_mem>>)
      %dma_wait3A_600 = arith.constant 0 : i32
      %dma_wait3A_601 = arith.constant 0 : i32
      %dma_wait3A_602 = tpu.memref_slice %arg5[%dma_wait3A_601] : memref<33792xf32, #tpu.memory_space<vmem>> -> memref<1024xf32, #tpu.memory_space<vmem>>
      %dma_wait3A_603 = arith.constant 0 : i32
      %dma_wait3A_604 = tpu.memref_slice %arg4[%dma_wait3A_600, %dma_wait3A_603] : memref<65536x1024xf32, #tpu.memory_space<hbm>> -> memref<1x1024xf32, #tpu.memory_space<hbm>>
      %dma_wait3A_605 = tpu.memref_squeeze %dma_wait3A_604 : memref<1x1024xf32, #tpu.memory_space<hbm>> -> memref<1024xf32, #tpu.memory_space<hbm>>
      %dma_wait3A_606 = arith.constant 0 : i32
      %dma_wait3A_607 = tpu.memref_slice %arg4[%dma_wait3A_600, %dma_wait3A_606] : memref<65536x1024xf32, #tpu.memory_space<hbm>> -> memref<1x1024xf32, #tpu.memory_space<hbm>>
      %dma_wait3A_608 = tpu.memref_squeeze %dma_wait3A_607 : memref<1x1024xf32, #tpu.memory_space<hbm>> -> memref<1024xf32, #tpu.memory_space<hbm>>
      %dma_wait3A_609 = arith.constant 0 : i32
      %dma_wait3A_610 = tpu.memref_slice %arg5[%dma_wait3A_609] : memref<33792xf32, #tpu.memory_space<vmem>> -> memref<1024xf32, #tpu.memory_space<vmem>>
      tpu.wait_dma2 semaphore(%arg8 : memref<!tpu.dma_semaphore, #tpu.memory_space<semaphore_mem>>) src(%dma_wait3A_610 : memref<1024xf32, #tpu.memory_space<vmem>>) dst(%dma_wait3A_608 : memref<1024xf32, #tpu.memory_space<hbm>>)
      %add3A_611 = arith.constant 7 : i32
      %add3A_612 = arith.addi %add3A_424, %add3A_611 : i32
      %slice3A_613 = vector.extract_strided_slice %get3A_421 {offsets = [7], sizes = [1], strides = [1]} : vector<16xi32> to vector<1xi32>
      %squeeze3A_614 = vector.extract %slice3A_613[0] : i32 from vector<1xi32>
      %mul3A_615 = arith.constant 1024 : i32
      %mul3A_616 = arith.muli %squeeze3A_614, %mul3A_615 : i32
      %dma_start3A_617 = tpu.memref_slice %arg5[%mul3A_616] : memref<33792xf32, #tpu.memory_space<vmem>> -> memref<1024xf32, #tpu.memory_space<vmem>>
      %dma_start3A_618 = arith.constant 0 : i32
      %dma_start3A_619 = tpu.memref_slice %arg4[%add3A_612, %dma_start3A_618] : memref<65536x1024xf32, #tpu.memory_space<hbm>> -> memref<1x1024xf32, #tpu.memory_space<hbm>>
      %dma_start3A_620 = tpu.memref_squeeze %dma_start3A_619 : memref<1x1024xf32, #tpu.memory_space<hbm>> -> memref<1024xf32, #tpu.memory_space<hbm>>
      %dma_start3A_621 = arith.constant 0 : i32
      %dma_start3A_622 = tpu.memref_slice %arg4[%add3A_612, %dma_start3A_621] : memref<65536x1024xf32, #tpu.memory_space<hbm>> -> memref<1x1024xf32, #tpu.memory_space<hbm>>
      %dma_start3A_623 = tpu.memref_squeeze %dma_start3A_622 : memref<1x1024xf32, #tpu.memory_space<hbm>> -> memref<1024xf32, #tpu.memory_space<hbm>>
      %dma_start3A_624 = tpu.memref_slice %arg5[%mul3A_616] : memref<33792xf32, #tpu.memory_space<vmem>> -> memref<1024xf32, #tpu.memory_space<vmem>>
      tpu.enqueue_dma source(%dma_start3A_624 : memref<1024xf32, #tpu.memory_space<vmem>>) target(%dma_start3A_623 : memref<1024xf32, #tpu.memory_space<hbm>>) target_semaphore(%arg8 : memref<!tpu.dma_semaphore, #tpu.memory_space<semaphore_mem>>)
      %dma_wait3A_625 = arith.constant 0 : i32
      %dma_wait3A_626 = arith.constant 0 : i32
      %dma_wait3A_627 = tpu.memref_slice %arg5[%dma_wait3A_626] : memref<33792xf32, #tpu.memory_space<vmem>> -> memref<1024xf32, #tpu.memory_space<vmem>>
      %dma_wait3A_628 = arith.constant 0 : i32
      %dma_wait3A_629 = tpu.memref_slice %arg4[%dma_wait3A_625, %dma_wait3A_628] : memref<65536x1024xf32, #tpu.memory_space<hbm>> -> memref<1x1024xf32, #tpu.memory_space<hbm>>
      %dma_wait3A_630 = tpu.memref_squeeze %dma_wait3A_629 : memref<1x1024xf32, #tpu.memory_space<hbm>> -> memref<1024xf32, #tpu.memory_space<hbm>>
      %dma_wait3A_631 = arith.constant 0 : i32
      %dma_wait3A_632 = tpu.memref_slice %arg4[%dma_wait3A_625, %dma_wait3A_631] : memref<65536x1024xf32, #tpu.memory_space<hbm>> -> memref<1x1024xf32, #tpu.memory_space<hbm>>
      %dma_wait3A_633 = tpu.memref_squeeze %dma_wait3A_632 : memref<1x1024xf32, #tpu.memory_space<hbm>> -> memref<1024xf32, #tpu.memory_space<hbm>>
      %dma_wait3A_634 = arith.constant 0 : i32
      %dma_wait3A_635 = tpu.memref_slice %arg5[%dma_wait3A_634] : memref<33792xf32, #tpu.memory_space<vmem>> -> memref<1024xf32, #tpu.memory_space<vmem>>
      tpu.wait_dma2 semaphore(%arg8 : memref<!tpu.dma_semaphore, #tpu.memory_space<semaphore_mem>>) src(%dma_wait3A_635 : memref<1024xf32, #tpu.memory_space<vmem>>) dst(%dma_wait3A_633 : memref<1024xf32, #tpu.memory_space<hbm>>)
      %add3A_636 = arith.constant 8 : i32
      %add3A_637 = arith.addi %add3A_424, %add3A_636 : i32
      %slice3A_638 = vector.extract_strided_slice %get3A_421 {offsets = [8], sizes = [1], strides = [1]} : vector<16xi32> to vector<1xi32>
      %squeeze3A_639 = vector.extract %slice3A_638[0] : i32 from vector<1xi32>
      %mul3A_640 = arith.constant 1024 : i32
      %mul3A_641 = arith.muli %squeeze3A_639, %mul3A_640 : i32
      %dma_start3A_642 = tpu.memref_slice %arg5[%mul3A_641] : memref<33792xf32, #tpu.memory_space<vmem>> -> memref<1024xf32, #tpu.memory_space<vmem>>
      %dma_start3A_643 = arith.constant 0 : i32
      %dma_start3A_644 = tpu.memref_slice %arg4[%add3A_637, %dma_start3A_643] : memref<65536x1024xf32, #tpu.memory_space<hbm>> -> memref<1x1024xf32, #tpu.memory_space<hbm>>
      %dma_start3A_645 = tpu.memref_squeeze %dma_start3A_644 : memref<1x1024xf32, #tpu.memory_space<hbm>> -> memref<1024xf32, #tpu.memory_space<hbm>>
      %dma_start3A_646 = arith.constant 0 : i32
      %dma_start3A_647 = tpu.memref_slice %arg4[%add3A_637, %dma_start3A_646] : memref<65536x1024xf32, #tpu.memory_space<hbm>> -> memref<1x1024xf32, #tpu.memory_space<hbm>>
      %dma_start3A_648 = tpu.memref_squeeze %dma_start3A_647 : memref<1x1024xf32, #tpu.memory_space<hbm>> -> memref<1024xf32, #tpu.memory_space<hbm>>
      %dma_start3A_649 = tpu.memref_slice %arg5[%mul3A_641] : memref<33792xf32, #tpu.memory_space<vmem>> -> memref<1024xf32, #tpu.memory_space<vmem>>
      tpu.enqueue_dma source(%dma_start3A_649 : memref<1024xf32, #tpu.memory_space<vmem>>) target(%dma_start3A_648 : memref<1024xf32, #tpu.memory_space<hbm>>) target_semaphore(%arg8 : memref<!tpu.dma_semaphore, #tpu.memory_space<semaphore_mem>>)
      %dma_wait3A_650 = arith.constant 0 : i32
      %dma_wait3A_651 = arith.constant 0 : i32
      %dma_wait3A_652 = tpu.memref_slice %arg5[%dma_wait3A_651] : memref<33792xf32, #tpu.memory_space<vmem>> -> memref<1024xf32, #tpu.memory_space<vmem>>
      %dma_wait3A_653 = arith.constant 0 : i32
      %dma_wait3A_654 = tpu.memref_slice %arg4[%dma_wait3A_650, %dma_wait3A_653] : memref<65536x1024xf32, #tpu.memory_space<hbm>> -> memref<1x1024xf32, #tpu.memory_space<hbm>>
      %dma_wait3A_655 = tpu.memref_squeeze %dma_wait3A_654 : memref<1x1024xf32, #tpu.memory_space<hbm>> -> memref<1024xf32, #tpu.memory_space<hbm>>
      %dma_wait3A_656 = arith.constant 0 : i32
      %dma_wait3A_657 = tpu.memref_slice %arg4[%dma_wait3A_650, %dma_wait3A_656] : memref<65536x1024xf32, #tpu.memory_space<hbm>> -> memref<1x1024xf32, #tpu.memory_space<hbm>>
      %dma_wait3A_658 = tpu.memref_squeeze %dma_wait3A_657 : memref<1x1024xf32, #tpu.memory_space<hbm>> -> memref<1024xf32, #tpu.memory_space<hbm>>
      %dma_wait3A_659 = arith.constant 0 : i32
      %dma_wait3A_660 = tpu.memref_slice %arg5[%dma_wait3A_659] : memref<33792xf32, #tpu.memory_space<vmem>> -> memref<1024xf32, #tpu.memory_space<vmem>>
      tpu.wait_dma2 semaphore(%arg8 : memref<!tpu.dma_semaphore, #tpu.memory_space<semaphore_mem>>) src(%dma_wait3A_660 : memref<1024xf32, #tpu.memory_space<vmem>>) dst(%dma_wait3A_658 : memref<1024xf32, #tpu.memory_space<hbm>>)
      %add3A_661 = arith.constant 9 : i32
      %add3A_662 = arith.addi %add3A_424, %add3A_661 : i32
      %slice3A_663 = vector.extract_strided_slice %get3A_421 {offsets = [9], sizes = [1], strides = [1]} : vector<16xi32> to vector<1xi32>
      %squeeze3A_664 = vector.extract %slice3A_663[0] : i32 from vector<1xi32>
      %mul3A_665 = arith.constant 1024 : i32
      %mul3A_666 = arith.muli %squeeze3A_664, %mul3A_665 : i32
      %dma_start3A_667 = tpu.memref_slice %arg5[%mul3A_666] : memref<33792xf32, #tpu.memory_space<vmem>> -> memref<1024xf32, #tpu.memory_space<vmem>>
      %dma_start3A_668 = arith.constant 0 : i32
      %dma_start3A_669 = tpu.memref_slice %arg4[%add3A_662, %dma_start3A_668] : memref<65536x1024xf32, #tpu.memory_space<hbm>> -> memref<1x1024xf32, #tpu.memory_space<hbm>>
      %dma_start3A_670 = tpu.memref_squeeze %dma_start3A_669 : memref<1x1024xf32, #tpu.memory_space<hbm>> -> memref<1024xf32, #tpu.memory_space<hbm>>
      %dma_start3A_671 = arith.constant 0 : i32
      %dma_start3A_672 = tpu.memref_slice %arg4[%add3A_662, %dma_start3A_671] : memref<65536x1024xf32, #tpu.memory_space<hbm>> -> memref<1x1024xf32, #tpu.memory_space<hbm>>
      %dma_start3A_673 = tpu.memref_squeeze %dma_start3A_672 : memref<1x1024xf32, #tpu.memory_space<hbm>> -> memref<1024xf32, #tpu.memory_space<hbm>>
      %dma_start3A_674 = tpu.memref_slice %arg5[%mul3A_666] : memref<33792xf32, #tpu.memory_space<vmem>> -> memref<1024xf32, #tpu.memory_space<vmem>>
      tpu.enqueue_dma source(%dma_start3A_674 : memref<1024xf32, #tpu.memory_space<vmem>>) target(%dma_start3A_673 : memref<1024xf32, #tpu.memory_space<hbm>>) target_semaphore(%arg8 : memref<!tpu.dma_semaphore, #tpu.memory_space<semaphore_mem>>)
      %dma_wait3A_675 = arith.constant 0 : i32
      %dma_wait3A_676 = arith.constant 0 : i32
      %dma_wait3A_677 = tpu.memref_slice %arg5[%dma_wait3A_676] : memref<33792xf32, #tpu.memory_space<vmem>> -> memref<1024xf32, #tpu.memory_space<vmem>>
      %dma_wait3A_678 = arith.constant 0 : i32
      %dma_wait3A_679 = tpu.memref_slice %arg4[%dma_wait3A_675, %dma_wait3A_678] : memref<65536x1024xf32, #tpu.memory_space<hbm>> -> memref<1x1024xf32, #tpu.memory_space<hbm>>
      %dma_wait3A_680 = tpu.memref_squeeze %dma_wait3A_679 : memref<1x1024xf32, #tpu.memory_space<hbm>> -> memref<1024xf32, #tpu.memory_space<hbm>>
      %dma_wait3A_681 = arith.constant 0 : i32
      %dma_wait3A_682 = tpu.memref_slice %arg4[%dma_wait3A_675, %dma_wait3A_681] : memref<65536x1024xf32, #tpu.memory_space<hbm>> -> memref<1x1024xf32, #tpu.memory_space<hbm>>
      %dma_wait3A_683 = tpu.memref_squeeze %dma_wait3A_682 : memref<1x1024xf32, #tpu.memory_space<hbm>> -> memref<1024xf32, #tpu.memory_space<hbm>>
      %dma_wait3A_684 = arith.constant 0 : i32
      %dma_wait3A_685 = tpu.memref_slice %arg5[%dma_wait3A_684] : memref<33792xf32, #tpu.memory_space<vmem>> -> memref<1024xf32, #tpu.memory_space<vmem>>
      tpu.wait_dma2 semaphore(%arg8 : memref<!tpu.dma_semaphore, #tpu.memory_space<semaphore_mem>>) src(%dma_wait3A_685 : memref<1024xf32, #tpu.memory_space<vmem>>) dst(%dma_wait3A_683 : memref<1024xf32, #tpu.memory_space<hbm>>)
      %add3A_686 = arith.constant 10 : i32
      %add3A_687 = arith.addi %add3A_424, %add3A_686 : i32
      %slice3A_688 = vector.extract_strided_slice %get3A_421 {offsets = [10], sizes = [1], strides = [1]} : vector<16xi32> to vector<1xi32>
      %squeeze3A_689 = vector.extract %slice3A_688[0] : i32 from vector<1xi32>
      %mul3A_690 = arith.constant 1024 : i32
      %mul3A_691 = arith.muli %squeeze3A_689, %mul3A_690 : i32
      %dma_start3A_692 = tpu.memref_slice %arg5[%mul3A_691] : memref<33792xf32, #tpu.memory_space<vmem>> -> memref<1024xf32, #tpu.memory_space<vmem>>
      %dma_start3A_693 = arith.constant 0 : i32
      %dma_start3A_694 = tpu.memref_slice %arg4[%add3A_687, %dma_start3A_693] : memref<65536x1024xf32, #tpu.memory_space<hbm>> -> memref<1x1024xf32, #tpu.memory_space<hbm>>
      %dma_start3A_695 = tpu.memref_squeeze %dma_start3A_694 : memref<1x1024xf32, #tpu.memory_space<hbm>> -> memref<1024xf32, #tpu.memory_space<hbm>>
      %dma_start3A_696 = arith.constant 0 : i32
      %dma_start3A_697 = tpu.memref_slice %arg4[%add3A_687, %dma_start3A_696] : memref<65536x1024xf32, #tpu.memory_space<hbm>> -> memref<1x1024xf32, #tpu.memory_space<hbm>>
      %dma_start3A_698 = tpu.memref_squeeze %dma_start3A_697 : memref<1x1024xf32, #tpu.memory_space<hbm>> -> memref<1024xf32, #tpu.memory_space<hbm>>
      %dma_start3A_699 = tpu.memref_slice %arg5[%mul3A_691] : memref<33792xf32, #tpu.memory_space<vmem>> -> memref<1024xf32, #tpu.memory_space<vmem>>
      tpu.enqueue_dma source(%dma_start3A_699 : memref<1024xf32, #tpu.memory_space<vmem>>) target(%dma_start3A_698 : memref<1024xf32, #tpu.memory_space<hbm>>) target_semaphore(%arg8 : memref<!tpu.dma_semaphore, #tpu.memory_space<semaphore_mem>>)
      %dma_wait3A_700 = arith.constant 0 : i32
      %dma_wait3A_701 = arith.constant 0 : i32
      %dma_wait3A_702 = tpu.memref_slice %arg5[%dma_wait3A_701] : memref<33792xf32, #tpu.memory_space<vmem>> -> memref<1024xf32, #tpu.memory_space<vmem>>
      %dma_wait3A_703 = arith.constant 0 : i32
      %dma_wait3A_704 = tpu.memref_slice %arg4[%dma_wait3A_700, %dma_wait3A_703] : memref<65536x1024xf32, #tpu.memory_space<hbm>> -> memref<1x1024xf32, #tpu.memory_space<hbm>>
      %dma_wait3A_705 = tpu.memref_squeeze %dma_wait3A_704 : memref<1x1024xf32, #tpu.memory_space<hbm>> -> memref<1024xf32, #tpu.memory_space<hbm>>
      %dma_wait3A_706 = arith.constant 0 : i32
      %dma_wait3A_707 = tpu.memref_slice %arg4[%dma_wait3A_700, %dma_wait3A_706] : memref<65536x1024xf32, #tpu.memory_space<hbm>> -> memref<1x1024xf32, #tpu.memory_space<hbm>>
      %dma_wait3A_708 = tpu.memref_squeeze %dma_wait3A_707 : memref<1x1024xf32, #tpu.memory_space<hbm>> -> memref<1024xf32, #tpu.memory_space<hbm>>
      %dma_wait3A_709 = arith.constant 0 : i32
      %dma_wait3A_710 = tpu.memref_slice %arg5[%dma_wait3A_709] : memref<33792xf32, #tpu.memory_space<vmem>> -> memref<1024xf32, #tpu.memory_space<vmem>>
      tpu.wait_dma2 semaphore(%arg8 : memref<!tpu.dma_semaphore, #tpu.memory_space<semaphore_mem>>) src(%dma_wait3A_710 : memref<1024xf32, #tpu.memory_space<vmem>>) dst(%dma_wait3A_708 : memref<1024xf32, #tpu.memory_space<hbm>>)
      %add3A_711 = arith.constant 11 : i32
      %add3A_712 = arith.addi %add3A_424, %add3A_711 : i32
      %slice3A_713 = vector.extract_strided_slice %get3A_421 {offsets = [11], sizes = [1], strides = [1]} : vector<16xi32> to vector<1xi32>
      %squeeze3A_714 = vector.extract %slice3A_713[0] : i32 from vector<1xi32>
      %mul3A_715 = arith.constant 1024 : i32
      %mul3A_716 = arith.muli %squeeze3A_714, %mul3A_715 : i32
      %dma_start3A_717 = tpu.memref_slice %arg5[%mul3A_716] : memref<33792xf32, #tpu.memory_space<vmem>> -> memref<1024xf32, #tpu.memory_space<vmem>>
      %dma_start3A_718 = arith.constant 0 : i32
      %dma_start3A_719 = tpu.memref_slice %arg4[%add3A_712, %dma_start3A_718] : memref<65536x1024xf32, #tpu.memory_space<hbm>> -> memref<1x1024xf32, #tpu.memory_space<hbm>>
      %dma_start3A_720 = tpu.memref_squeeze %dma_start3A_719 : memref<1x1024xf32, #tpu.memory_space<hbm>> -> memref<1024xf32, #tpu.memory_space<hbm>>
      %dma_start3A_721 = arith.constant 0 : i32
      %dma_start3A_722 = tpu.memref_slice %arg4[%add3A_712, %dma_start3A_721] : memref<65536x1024xf32, #tpu.memory_space<hbm>> -> memref<1x1024xf32, #tpu.memory_space<hbm>>
      %dma_start3A_723 = tpu.memref_squeeze %dma_start3A_722 : memref<1x1024xf32, #tpu.memory_space<hbm>> -> memref<1024xf32, #tpu.memory_space<hbm>>
      %dma_start3A_724 = tpu.memref_slice %arg5[%mul3A_716] : memref<33792xf32, #tpu.memory_space<vmem>> -> memref<1024xf32, #tpu.memory_space<vmem>>
      tpu.enqueue_dma source(%dma_start3A_724 : memref<1024xf32, #tpu.memory_space<vmem>>) target(%dma_start3A_723 : memref<1024xf32, #tpu.memory_space<hbm>>) target_semaphore(%arg8 : memref<!tpu.dma_semaphore, #tpu.memory_space<semaphore_mem>>)
      %dma_wait3A_725 = arith.constant 0 : i32
      %dma_wait3A_726 = arith.constant 0 : i32
      %dma_wait3A_727 = tpu.memref_slice %arg5[%dma_wait3A_726] : memref<33792xf32, #tpu.memory_space<vmem>> -> memref<1024xf32, #tpu.memory_space<vmem>>
      %dma_wait3A_728 = arith.constant 0 : i32
      %dma_wait3A_729 = tpu.memref_slice %arg4[%dma_wait3A_725, %dma_wait3A_728] : memref<65536x1024xf32, #tpu.memory_space<hbm>> -> memref<1x1024xf32, #tpu.memory_space<hbm>>
      %dma_wait3A_730 = tpu.memref_squeeze %dma_wait3A_729 : memref<1x1024xf32, #tpu.memory_space<hbm>> -> memref<1024xf32, #tpu.memory_space<hbm>>
      %dma_wait3A_731 = arith.constant 0 : i32
      %dma_wait3A_732 = tpu.memref_slice %arg4[%dma_wait3A_725, %dma_wait3A_731] : memref<65536x1024xf32, #tpu.memory_space<hbm>> -> memref<1x1024xf32, #tpu.memory_space<hbm>>
      %dma_wait3A_733 = tpu.memref_squeeze %dma_wait3A_732 : memref<1x1024xf32, #tpu.memory_space<hbm>> -> memref<1024xf32, #tpu.memory_space<hbm>>
      %dma_wait3A_734 = arith.constant 0 : i32
      %dma_wait3A_735 = tpu.memref_slice %arg5[%dma_wait3A_734] : memref<33792xf32, #tpu.memory_space<vmem>> -> memref<1024xf32, #tpu.memory_space<vmem>>
      tpu.wait_dma2 semaphore(%arg8 : memref<!tpu.dma_semaphore, #tpu.memory_space<semaphore_mem>>) src(%dma_wait3A_735 : memref<1024xf32, #tpu.memory_space<vmem>>) dst(%dma_wait3A_733 : memref<1024xf32, #tpu.memory_space<hbm>>)
      %add3A_736 = arith.constant 12 : i32
      %add3A_737 = arith.addi %add3A_424, %add3A_736 : i32
      %slice3A_738 = vector.extract_strided_slice %get3A_421 {offsets = [12], sizes = [1], strides = [1]} : vector<16xi32> to vector<1xi32>
      %squeeze3A_739 = vector.extract %slice3A_738[0] : i32 from vector<1xi32>
      %mul3A_740 = arith.constant 1024 : i32
      %mul3A_741 = arith.muli %squeeze3A_739, %mul3A_740 : i32
      %dma_start3A_742 = tpu.memref_slice %arg5[%mul3A_741] : memref<33792xf32, #tpu.memory_space<vmem>> -> memref<1024xf32, #tpu.memory_space<vmem>>
      %dma_start3A_743 = arith.constant 0 : i32
      %dma_start3A_744 = tpu.memref_slice %arg4[%add3A_737, %dma_start3A_743] : memref<65536x1024xf32, #tpu.memory_space<hbm>> -> memref<1x1024xf32, #tpu.memory_space<hbm>>
      %dma_start3A_745 = tpu.memref_squeeze %dma_start3A_744 : memref<1x1024xf32, #tpu.memory_space<hbm>> -> memref<1024xf32, #tpu.memory_space<hbm>>
      %dma_start3A_746 = arith.constant 0 : i32
      %dma_start3A_747 = tpu.memref_slice %arg4[%add3A_737, %dma_start3A_746] : memref<65536x1024xf32, #tpu.memory_space<hbm>> -> memref<1x1024xf32, #tpu.memory_space<hbm>>
      %dma_start3A_748 = tpu.memref_squeeze %dma_start3A_747 : memref<1x1024xf32, #tpu.memory_space<hbm>> -> memref<1024xf32, #tpu.memory_space<hbm>>
      %dma_start3A_749 = tpu.memref_slice %arg5[%mul3A_741] : memref<33792xf32, #tpu.memory_space<vmem>> -> memref<1024xf32, #tpu.memory_space<vmem>>
      tpu.enqueue_dma source(%dma_start3A_749 : memref<1024xf32, #tpu.memory_space<vmem>>) target(%dma_start3A_748 : memref<1024xf32, #tpu.memory_space<hbm>>) target_semaphore(%arg8 : memref<!tpu.dma_semaphore, #tpu.memory_space<semaphore_mem>>)
      %dma_wait3A_750 = arith.constant 0 : i32
      %dma_wait3A_751 = arith.constant 0 : i32
      %dma_wait3A_752 = tpu.memref_slice %arg5[%dma_wait3A_751] : memref<33792xf32, #tpu.memory_space<vmem>> -> memref<1024xf32, #tpu.memory_space<vmem>>
      %dma_wait3A_753 = arith.constant 0 : i32
      %dma_wait3A_754 = tpu.memref_slice %arg4[%dma_wait3A_750, %dma_wait3A_753] : memref<65536x1024xf32, #tpu.memory_space<hbm>> -> memref<1x1024xf32, #tpu.memory_space<hbm>>
      %dma_wait3A_755 = tpu.memref_squeeze %dma_wait3A_754 : memref<1x1024xf32, #tpu.memory_space<hbm>> -> memref<1024xf32, #tpu.memory_space<hbm>>
      %dma_wait3A_756 = arith.constant 0 : i32
      %dma_wait3A_757 = tpu.memref_slice %arg4[%dma_wait3A_750, %dma_wait3A_756] : memref<65536x1024xf32, #tpu.memory_space<hbm>> -> memref<1x1024xf32, #tpu.memory_space<hbm>>
      %dma_wait3A_758 = tpu.memref_squeeze %dma_wait3A_757 : memref<1x1024xf32, #tpu.memory_space<hbm>> -> memref<1024xf32, #tpu.memory_space<hbm>>
      %dma_wait3A_759 = arith.constant 0 : i32
      %dma_wait3A_760 = tpu.memref_slice %arg5[%dma_wait3A_759] : memref<33792xf32, #tpu.memory_space<vmem>> -> memref<1024xf32, #tpu.memory_space<vmem>>
      tpu.wait_dma2 semaphore(%arg8 : memref<!tpu.dma_semaphore, #tpu.memory_space<semaphore_mem>>) src(%dma_wait3A_760 : memref<1024xf32, #tpu.memory_space<vmem>>) dst(%dma_wait3A_758 : memref<1024xf32, #tpu.memory_space<hbm>>)
      %add3A_761 = arith.constant 13 : i32
      %add3A_762 = arith.addi %add3A_424, %add3A_761 : i32
      %slice3A_763 = vector.extract_strided_slice %get3A_421 {offsets = [13], sizes = [1], strides = [1]} : vector<16xi32> to vector<1xi32>
      %squeeze3A_764 = vector.extract %slice3A_763[0] : i32 from vector<1xi32>
      %mul3A_765 = arith.constant 1024 : i32
      %mul3A_766 = arith.muli %squeeze3A_764, %mul3A_765 : i32
      %dma_start3A_767 = tpu.memref_slice %arg5[%mul3A_766] : memref<33792xf32, #tpu.memory_space<vmem>> -> memref<1024xf32, #tpu.memory_space<vmem>>
      %dma_start3A_768 = arith.constant 0 : i32
      %dma_start3A_769 = tpu.memref_slice %arg4[%add3A_762, %dma_start3A_768] : memref<65536x1024xf32, #tpu.memory_space<hbm>> -> memref<1x1024xf32, #tpu.memory_space<hbm>>
      %dma_start3A_770 = tpu.memref_squeeze %dma_start3A_769 : memref<1x1024xf32, #tpu.memory_space<hbm>> -> memref<1024xf32, #tpu.memory_space<hbm>>
      %dma_start3A_771 = arith.constant 0 : i32
      %dma_start3A_772 = tpu.memref_slice %arg4[%add3A_762, %dma_start3A_771] : memref<65536x1024xf32, #tpu.memory_space<hbm>> -> memref<1x1024xf32, #tpu.memory_space<hbm>>
      %dma_start3A_773 = tpu.memref_squeeze %dma_start3A_772 : memref<1x1024xf32, #tpu.memory_space<hbm>> -> memref<1024xf32, #tpu.memory_space<hbm>>
      %dma_start3A_774 = tpu.memref_slice %arg5[%mul3A_766] : memref<33792xf32, #tpu.memory_space<vmem>> -> memref<1024xf32, #tpu.memory_space<vmem>>
      tpu.enqueue_dma source(%dma_start3A_774 : memref<1024xf32, #tpu.memory_space<vmem>>) target(%dma_start3A_773 : memref<1024xf32, #tpu.memory_space<hbm>>) target_semaphore(%arg8 : memref<!tpu.dma_semaphore, #tpu.memory_space<semaphore_mem>>)
      %dma_wait3A_775 = arith.constant 0 : i32
      %dma_wait3A_776 = arith.constant 0 : i32
      %dma_wait3A_777 = tpu.memref_slice %arg5[%dma_wait3A_776] : memref<33792xf32, #tpu.memory_space<vmem>> -> memref<1024xf32, #tpu.memory_space<vmem>>
      %dma_wait3A_778 = arith.constant 0 : i32
      %dma_wait3A_779 = tpu.memref_slice %arg4[%dma_wait3A_775, %dma_wait3A_778] : memref<65536x1024xf32, #tpu.memory_space<hbm>> -> memref<1x1024xf32, #tpu.memory_space<hbm>>
      %dma_wait3A_780 = tpu.memref_squeeze %dma_wait3A_779 : memref<1x1024xf32, #tpu.memory_space<hbm>> -> memref<1024xf32, #tpu.memory_space<hbm>>
      %dma_wait3A_781 = arith.constant 0 : i32
      %dma_wait3A_782 = tpu.memref_slice %arg4[%dma_wait3A_775, %dma_wait3A_781] : memref<65536x1024xf32, #tpu.memory_space<hbm>> -> memref<1x1024xf32, #tpu.memory_space<hbm>>
      %dma_wait3A_783 = tpu.memref_squeeze %dma_wait3A_782 : memref<1x1024xf32, #tpu.memory_space<hbm>> -> memref<1024xf32, #tpu.memory_space<hbm>>
      %dma_wait3A_784 = arith.constant 0 : i32
      %dma_wait3A_785 = tpu.memref_slice %arg5[%dma_wait3A_784] : memref<33792xf32, #tpu.memory_space<vmem>> -> memref<1024xf32, #tpu.memory_space<vmem>>
      tpu.wait_dma2 semaphore(%arg8 : memref<!tpu.dma_semaphore, #tpu.memory_space<semaphore_mem>>) src(%dma_wait3A_785 : memref<1024xf32, #tpu.memory_space<vmem>>) dst(%dma_wait3A_783 : memref<1024xf32, #tpu.memory_space<hbm>>)
      %add3A_786 = arith.constant 14 : i32
      %add3A_787 = arith.addi %add3A_424, %add3A_786 : i32
      %slice3A_788 = vector.extract_strided_slice %get3A_421 {offsets = [14], sizes = [1], strides = [1]} : vector<16xi32> to vector<1xi32>
      %squeeze3A_789 = vector.extract %slice3A_788[0] : i32 from vector<1xi32>
      %mul3A_790 = arith.constant 1024 : i32
      %mul3A_791 = arith.muli %squeeze3A_789, %mul3A_790 : i32
      %dma_start3A_792 = tpu.memref_slice %arg5[%mul3A_791] : memref<33792xf32, #tpu.memory_space<vmem>> -> memref<1024xf32, #tpu.memory_space<vmem>>
      %dma_start3A_793 = arith.constant 0 : i32
      %dma_start3A_794 = tpu.memref_slice %arg4[%add3A_787, %dma_start3A_793] : memref<65536x1024xf32, #tpu.memory_space<hbm>> -> memref<1x1024xf32, #tpu.memory_space<hbm>>
      %dma_start3A_795 = tpu.memref_squeeze %dma_start3A_794 : memref<1x1024xf32, #tpu.memory_space<hbm>> -> memref<1024xf32, #tpu.memory_space<hbm>>
      %dma_start3A_796 = arith.constant 0 : i32
      %dma_start3A_797 = tpu.memref_slice %arg4[%add3A_787, %dma_start3A_796] : memref<65536x1024xf32, #tpu.memory_space<hbm>> -> memref<1x1024xf32, #tpu.memory_space<hbm>>
      %dma_start3A_798 = tpu.memref_squeeze %dma_start3A_797 : memref<1x1024xf32, #tpu.memory_space<hbm>> -> memref<1024xf32, #tpu.memory_space<hbm>>
      %dma_start3A_799 = tpu.memref_slice %arg5[%mul3A_791] : memref<33792xf32, #tpu.memory_space<vmem>> -> memref<1024xf32, #tpu.memory_space<vmem>>
      tpu.enqueue_dma source(%dma_start3A_799 : memref<1024xf32, #tpu.memory_space<vmem>>) target(%dma_start3A_798 : memref<1024xf32, #tpu.memory_space<hbm>>) target_semaphore(%arg8 : memref<!tpu.dma_semaphore, #tpu.memory_space<semaphore_mem>>)
      %dma_wait3A_800 = arith.constant 0 : i32
      %dma_wait3A_801 = arith.constant 0 : i32
      %dma_wait3A_802 = tpu.memref_slice %arg5[%dma_wait3A_801] : memref<33792xf32, #tpu.memory_space<vmem>> -> memref<1024xf32, #tpu.memory_space<vmem>>
      %dma_wait3A_803 = arith.constant 0 : i32
      %dma_wait3A_804 = tpu.memref_slice %arg4[%dma_wait3A_800, %dma_wait3A_803] : memref<65536x1024xf32, #tpu.memory_space<hbm>> -> memref<1x1024xf32, #tpu.memory_space<hbm>>
      %dma_wait3A_805 = tpu.memref_squeeze %dma_wait3A_804 : memref<1x1024xf32, #tpu.memory_space<hbm>> -> memref<1024xf32, #tpu.memory_space<hbm>>
      %dma_wait3A_806 = arith.constant 0 : i32
      %dma_wait3A_807 = tpu.memref_slice %arg4[%dma_wait3A_800, %dma_wait3A_806] : memref<65536x1024xf32, #tpu.memory_space<hbm>> -> memref<1x1024xf32, #tpu.memory_space<hbm>>
      %dma_wait3A_808 = tpu.memref_squeeze %dma_wait3A_807 : memref<1x1024xf32, #tpu.memory_space<hbm>> -> memref<1024xf32, #tpu.memory_space<hbm>>
      %dma_wait3A_809 = arith.constant 0 : i32
      %dma_wait3A_810 = tpu.memref_slice %arg5[%dma_wait3A_809] : memref<33792xf32, #tpu.memory_space<vmem>> -> memref<1024xf32, #tpu.memory_space<vmem>>
      tpu.wait_dma2 semaphore(%arg8 : memref<!tpu.dma_semaphore, #tpu.memory_space<semaphore_mem>>) src(%dma_wait3A_810 : memref<1024xf32, #tpu.memory_space<vmem>>) dst(%dma_wait3A_808 : memref<1024xf32, #tpu.memory_space<hbm>>)
      %add3A_811 = arith.constant 15 : i32
      %add3A_812 = arith.addi %add3A_424, %add3A_811 : i32
      %slice3A_813 = vector.extract_strided_slice %get3A_421 {offsets = [15], sizes = [1], strides = [1]} : vector<16xi32> to vector<1xi32>
      %squeeze3A_814 = vector.extract %slice3A_813[0] : i32 from vector<1xi32>
      %mul3A_815 = arith.constant 1024 : i32
      %mul3A_816 = arith.muli %squeeze3A_814, %mul3A_815 : i32
      %dma_start3A_817 = tpu.memref_slice %arg5[%mul3A_816] : memref<33792xf32, #tpu.memory_space<vmem>> -> memref<1024xf32, #tpu.memory_space<vmem>>
      %dma_start3A_818 = arith.constant 0 : i32
      %dma_start3A_819 = tpu.memref_slice %arg4[%add3A_812, %dma_start3A_818] : memref<65536x1024xf32, #tpu.memory_space<hbm>> -> memref<1x1024xf32, #tpu.memory_space<hbm>>
      %dma_start3A_820 = tpu.memref_squeeze %dma_start3A_819 : memref<1x1024xf32, #tpu.memory_space<hbm>> -> memref<1024xf32, #tpu.memory_space<hbm>>
      %dma_start3A_821 = arith.constant 0 : i32
      %dma_start3A_822 = tpu.memref_slice %arg4[%add3A_812, %dma_start3A_821] : memref<65536x1024xf32, #tpu.memory_space<hbm>> -> memref<1x1024xf32, #tpu.memory_space<hbm>>
      %dma_start3A_823 = tpu.memref_squeeze %dma_start3A_822 : memref<1x1024xf32, #tpu.memory_space<hbm>> -> memref<1024xf32, #tpu.memory_space<hbm>>
      %dma_start3A_824 = tpu.memref_slice %arg5[%mul3A_816] : memref<33792xf32, #tpu.memory_space<vmem>> -> memref<1024xf32, #tpu.memory_space<vmem>>
      tpu.enqueue_dma source(%dma_start3A_824 : memref<1024xf32, #tpu.memory_space<vmem>>) target(%dma_start3A_823 : memref<1024xf32, #tpu.memory_space<hbm>>) target_semaphore(%arg8 : memref<!tpu.dma_semaphore, #tpu.memory_space<semaphore_mem>>)
    }
    %scan3A_239 = arith.constant 127 : i32
    %dma_wait3A_240 = arith.constant 0 : i32
    %dma_wait3A_241 = arith.constant 0 : i32
    %dma_wait3A_242 = tpu.memref_slice %arg5[%dma_wait3A_241] : memref<33792xf32, #tpu.memory_space<vmem>> -> memref<1024xf32, #tpu.memory_space<vmem>>
    %dma_wait3A_243 = arith.constant 0 : i32
    %dma_wait3A_244 = tpu.memref_slice %arg4[%dma_wait3A_240, %dma_wait3A_243] : memref<65536x1024xf32, #tpu.memory_space<hbm>> -> memref<1x1024xf32, #tpu.memory_space<hbm>>
    %dma_wait3A_245 = tpu.memref_squeeze %dma_wait3A_244 : memref<1x1024xf32, #tpu.memory_space<hbm>> -> memref<1024xf32, #tpu.memory_space<hbm>>
    %dma_wait3A_246 = arith.constant 0 : i32
    %dma_wait3A_247 = tpu.memref_slice %arg4[%dma_wait3A_240, %dma_wait3A_246] : memref<65536x1024xf32, #tpu.memory_space<hbm>> -> memref<1x1024xf32, #tpu.memory_space<hbm>>
    %dma_wait3A_248 = tpu.memref_squeeze %dma_wait3A_247 : memref<1x1024xf32, #tpu.memory_space<hbm>> -> memref<1024xf32, #tpu.memory_space<hbm>>
    %dma_wait3A_249 = arith.constant 0 : i32
    %dma_wait3A_250 = tpu.memref_slice %arg5[%dma_wait3A_249] : memref<33792xf32, #tpu.memory_space<vmem>> -> memref<1024xf32, #tpu.memory_space<vmem>>
    tpu.wait_dma2 semaphore(%arg8 : memref<!tpu.dma_semaphore, #tpu.memory_space<semaphore_mem>>) src(%dma_wait3A_250 : memref<1024xf32, #tpu.memory_space<vmem>>) dst(%dma_wait3A_248 : memref<1024xf32, #tpu.memory_space<hbm>>)
    %dma_wait3A_251 = arith.constant 0 : i32
    %dma_wait3A_252 = arith.constant 0 : i32
    %dma_wait3A_253 = tpu.memref_slice %arg5[%dma_wait3A_252] : memref<33792xf32, #tpu.memory_space<vmem>> -> memref<1024xf32, #tpu.memory_space<vmem>>
    %dma_wait3A_254 = arith.constant 0 : i32
    %dma_wait3A_255 = tpu.memref_slice %arg4[%dma_wait3A_251, %dma_wait3A_254] : memref<65536x1024xf32, #tpu.memory_space<hbm>> -> memref<1x1024xf32, #tpu.memory_space<hbm>>
    %dma_wait3A_256 = tpu.memref_squeeze %dma_wait3A_255 : memref<1x1024xf32, #tpu.memory_space<hbm>> -> memref<1024xf32, #tpu.memory_space<hbm>>
    %dma_wait3A_257 = arith.constant 0 : i32
    %dma_wait3A_258 = tpu.memref_slice %arg4[%dma_wait3A_251, %dma_wait3A_257] : memref<65536x1024xf32, #tpu.memory_space<hbm>> -> memref<1x1024xf32, #tpu.memory_space<hbm>>
    %dma_wait3A_259 = tpu.memref_squeeze %dma_wait3A_258 : memref<1x1024xf32, #tpu.memory_space<hbm>> -> memref<1024xf32, #tpu.memory_space<hbm>>
    %dma_wait3A_260 = arith.constant 0 : i32
    %dma_wait3A_261 = tpu.memref_slice %arg5[%dma_wait3A_260] : memref<33792xf32, #tpu.memory_space<vmem>> -> memref<1024xf32, #tpu.memory_space<vmem>>
    tpu.wait_dma2 semaphore(%arg8 : memref<!tpu.dma_semaphore, #tpu.memory_space<semaphore_mem>>) src(%dma_wait3A_261 : memref<1024xf32, #tpu.memory_space<vmem>>) dst(%dma_wait3A_259 : memref<1024xf32, #tpu.memory_space<hbm>>)
    %dma_wait3A_262 = arith.constant 0 : i32
    %dma_wait3A_263 = arith.constant 0 : i32
    %dma_wait3A_264 = tpu.memref_slice %arg5[%dma_wait3A_263] : memref<33792xf32, #tpu.memory_space<vmem>> -> memref<1024xf32, #tpu.memory_space<vmem>>
    %dma_wait3A_265 = arith.constant 0 : i32
    %dma_wait3A_266 = tpu.memref_slice %arg4[%dma_wait3A_262, %dma_wait3A_265] : memref<65536x1024xf32, #tpu.memory_space<hbm>> -> memref<1x1024xf32, #tpu.memory_space<hbm>>
    %dma_wait3A_267 = tpu.memref_squeeze %dma_wait3A_266 : memref<1x1024xf32, #tpu.memory_space<hbm>> -> memref<1024xf32, #tpu.memory_space<hbm>>
    %dma_wait3A_268 = arith.constant 0 : i32
    %dma_wait3A_269 = tpu.memref_slice %arg4[%dma_wait3A_262, %dma_wait3A_268] : memref<65536x1024xf32, #tpu.memory_space<hbm>> -> memref<1x1024xf32, #tpu.memory_space<hbm>>
    %dma_wait3A_270 = tpu.memref_squeeze %dma_wait3A_269 : memref<1x1024xf32, #tpu.memory_space<hbm>> -> memref<1024xf32, #tpu.memory_space<hbm>>
    %dma_wait3A_271 = arith.constant 0 : i32
    %dma_wait3A_272 = tpu.memref_slice %arg5[%dma_wait3A_271] : memref<33792xf32, #tpu.memory_space<vmem>> -> memref<1024xf32, #tpu.memory_space<vmem>>
    tpu.wait_dma2 semaphore(%arg8 : memref<!tpu.dma_semaphore, #tpu.memory_space<semaphore_mem>>) src(%dma_wait3A_272 : memref<1024xf32, #tpu.memory_space<vmem>>) dst(%dma_wait3A_270 : memref<1024xf32, #tpu.memory_space<hbm>>)
    %dma_wait3A_273 = arith.constant 0 : i32
    %dma_wait3A_274 = arith.constant 0 : i32
    %dma_wait3A_275 = tpu.memref_slice %arg5[%dma_wait3A_274] : memref<33792xf32, #tpu.memory_space<vmem>> -> memref<1024xf32, #tpu.memory_space<vmem>>
    %dma_wait3A_276 = arith.constant 0 : i32
    %dma_wait3A_277 = tpu.memref_slice %arg4[%dma_wait3A_273, %dma_wait3A_276] : memref<65536x1024xf32, #tpu.memory_space<hbm>> -> memref<1x1024xf32, #tpu.memory_space<hbm>>
    %dma_wait3A_278 = tpu.memref_squeeze %dma_wait3A_277 : memref<1x1024xf32, #tpu.memory_space<hbm>> -> memref<1024xf32, #tpu.memory_space<hbm>>
    %dma_wait3A_279 = arith.constant 0 : i32
    %dma_wait3A_280 = tpu.memref_slice %arg4[%dma_wait3A_273, %dma_wait3A_279] : memref<65536x1024xf32, #tpu.memory_space<hbm>> -> memref<1x1024xf32, #tpu.memory_space<hbm>>
    %dma_wait3A_281 = tpu.memref_squeeze %dma_wait3A_280 : memref<1x1024xf32, #tpu.memory_space<hbm>> -> memref<1024xf32, #tpu.memory_space<hbm>>
    %dma_wait3A_282 = arith.constant 0 : i32
    %dma_wait3A_283 = tpu.memref_slice %arg5[%dma_wait3A_282] : memref<33792xf32, #tpu.memory_space<vmem>> -> memref<1024xf32, #tpu.memory_space<vmem>>
    tpu.wait_dma2 semaphore(%arg8 : memref<!tpu.dma_semaphore, #tpu.memory_space<semaphore_mem>>) src(%dma_wait3A_283 : memref<1024xf32, #tpu.memory_space<vmem>>) dst(%dma_wait3A_281 : memref<1024xf32, #tpu.memory_space<hbm>>)
    %dma_wait3A_284 = arith.constant 0 : i32
    %dma_wait3A_285 = arith.constant 0 : i32
    %dma_wait3A_286 = tpu.memref_slice %arg5[%dma_wait3A_285] : memref<33792xf32, #tpu.memory_space<vmem>> -> memref<1024xf32, #tpu.memory_space<vmem>>
    %dma_wait3A_287 = arith.constant 0 : i32
    %dma_wait3A_288 = tpu.memref_slice %arg4[%dma_wait3A_284, %dma_wait3A_287] : memref<65536x1024xf32, #tpu.memory_space<hbm>> -> memref<1x1024xf32, #tpu.memory_space<hbm>>
    %dma_wait3A_289 = tpu.memref_squeeze %dma_wait3A_288 : memref<1x1024xf32, #tpu.memory_space<hbm>> -> memref<1024xf32, #tpu.memory_space<hbm>>
    %dma_wait3A_290 = arith.constant 0 : i32
    %dma_wait3A_291 = tpu.memref_slice %arg4[%dma_wait3A_284, %dma_wait3A_290] : memref<65536x1024xf32, #tpu.memory_space<hbm>> -> memref<1x1024xf32, #tpu.memory_space<hbm>>
    %dma_wait3A_292 = tpu.memref_squeeze %dma_wait3A_291 : memref<1x1024xf32, #tpu.memory_space<hbm>> -> memref<1024xf32, #tpu.memory_space<hbm>>
    %dma_wait3A_293 = arith.constant 0 : i32
    %dma_wait3A_294 = tpu.memref_slice %arg5[%dma_wait3A_293] : memref<33792xf32, #tpu.memory_space<vmem>> -> memref<1024xf32, #tpu.memory_space<vmem>>
    tpu.wait_dma2 semaphore(%arg8 : memref<!tpu.dma_semaphore, #tpu.memory_space<semaphore_mem>>) src(%dma_wait3A_294 : memref<1024xf32, #tpu.memory_space<vmem>>) dst(%dma_wait3A_292 : memref<1024xf32, #tpu.memory_space<hbm>>)
    %dma_wait3A_295 = arith.constant 0 : i32
    %dma_wait3A_296 = arith.constant 0 : i32
    %dma_wait3A_297 = tpu.memref_slice %arg5[%dma_wait3A_296] : memref<33792xf32, #tpu.memory_space<vmem>> -> memref<1024xf32, #tpu.memory_space<vmem>>
    %dma_wait3A_298 = arith.constant 0 : i32
    %dma_wait3A_299 = tpu.memref_slice %arg4[%dma_wait3A_295, %dma_wait3A_298] : memref<65536x1024xf32, #tpu.memory_space<hbm>> -> memref<1x1024xf32, #tpu.memory_space<hbm>>
    %dma_wait3A_300 = tpu.memref_squeeze %dma_wait3A_299 : memref<1x1024xf32, #tpu.memory_space<hbm>> -> memref<1024xf32, #tpu.memory_space<hbm>>
    %dma_wait3A_301 = arith.constant 0 : i32
    %dma_wait3A_302 = tpu.memref_slice %arg4[%dma_wait3A_295, %dma_wait3A_301] : memref<65536x1024xf32, #tpu.memory_space<hbm>> -> memref<1x1024xf32, #tpu.memory_space<hbm>>
    %dma_wait3A_303 = tpu.memref_squeeze %dma_wait3A_302 : memref<1x1024xf32, #tpu.memory_space<hbm>> -> memref<1024xf32, #tpu.memory_space<hbm>>
    %dma_wait3A_304 = arith.constant 0 : i32
    %dma_wait3A_305 = tpu.memref_slice %arg5[%dma_wait3A_304] : memref<33792xf32, #tpu.memory_space<vmem>> -> memref<1024xf32, #tpu.memory_space<vmem>>
    tpu.wait_dma2 semaphore(%arg8 : memref<!tpu.dma_semaphore, #tpu.memory_space<semaphore_mem>>) src(%dma_wait3A_305 : memref<1024xf32, #tpu.memory_space<vmem>>) dst(%dma_wait3A_303 : memref<1024xf32, #tpu.memory_space<hbm>>)
    %dma_wait3A_306 = arith.constant 0 : i32
    %dma_wait3A_307 = arith.constant 0 : i32
    %dma_wait3A_308 = tpu.memref_slice %arg5[%dma_wait3A_307] : memref<33792xf32, #tpu.memory_space<vmem>> -> memref<1024xf32, #tpu.memory_space<vmem>>
    %dma_wait3A_309 = arith.constant 0 : i32
    %dma_wait3A_310 = tpu.memref_slice %arg4[%dma_wait3A_306, %dma_wait3A_309] : memref<65536x1024xf32, #tpu.memory_space<hbm>> -> memref<1x1024xf32, #tpu.memory_space<hbm>>
    %dma_wait3A_311 = tpu.memref_squeeze %dma_wait3A_310 : memref<1x1024xf32, #tpu.memory_space<hbm>> -> memref<1024xf32, #tpu.memory_space<hbm>>
    %dma_wait3A_312 = arith.constant 0 : i32
    %dma_wait3A_313 = tpu.memref_slice %arg4[%dma_wait3A_306, %dma_wait3A_312] : memref<65536x1024xf32, #tpu.memory_space<hbm>> -> memref<1x1024xf32, #tpu.memory_space<hbm>>
    %dma_wait3A_314 = tpu.memref_squeeze %dma_wait3A_313 : memref<1x1024xf32, #tpu.memory_space<hbm>> -> memref<1024xf32, #tpu.memory_space<hbm>>
    %dma_wait3A_315 = arith.constant 0 : i32
    %dma_wait3A_316 = tpu.memref_slice %arg5[%dma_wait3A_315] : memref<33792xf32, #tpu.memory_space<vmem>> -> memref<1024xf32, #tpu.memory_space<vmem>>
    tpu.wait_dma2 semaphore(%arg8 : memref<!tpu.dma_semaphore, #tpu.memory_space<semaphore_mem>>) src(%dma_wait3A_316 : memref<1024xf32, #tpu.memory_space<vmem>>) dst(%dma_wait3A_314 : memref<1024xf32, #tpu.memory_space<hbm>>)
    %dma_wait3A_317 = arith.constant 0 : i32
    %dma_wait3A_318 = arith.constant 0 : i32
    %dma_wait3A_319 = tpu.memref_slice %arg5[%dma_wait3A_318] : memref<33792xf32, #tpu.memory_space<vmem>> -> memref<1024xf32, #tpu.memory_space<vmem>>
    %dma_wait3A_320 = arith.constant 0 : i32
    %dma_wait3A_321 = tpu.memref_slice %arg4[%dma_wait3A_317, %dma_wait3A_320] : memref<65536x1024xf32, #tpu.memory_space<hbm>> -> memref<1x1024xf32, #tpu.memory_space<hbm>>
    %dma_wait3A_322 = tpu.memref_squeeze %dma_wait3A_321 : memref<1x1024xf32, #tpu.memory_space<hbm>> -> memref<1024xf32, #tpu.memory_space<hbm>>
    %dma_wait3A_323 = arith.constant 0 : i32
    %dma_wait3A_324 = tpu.memref_slice %arg4[%dma_wait3A_317, %dma_wait3A_323] : memref<65536x1024xf32, #tpu.memory_space<hbm>> -> memref<1x1024xf32, #tpu.memory_space<hbm>>
    %dma_wait3A_325 = tpu.memref_squeeze %dma_wait3A_324 : memref<1x1024xf32, #tpu.memory_space<hbm>> -> memref<1024xf32, #tpu.memory_space<hbm>>
    %dma_wait3A_326 = arith.constant 0 : i32
    %dma_wait3A_327 = tpu.memref_slice %arg5[%dma_wait3A_326] : memref<33792xf32, #tpu.memory_space<vmem>> -> memref<1024xf32, #tpu.memory_space<vmem>>
    tpu.wait_dma2 semaphore(%arg8 : memref<!tpu.dma_semaphore, #tpu.memory_space<semaphore_mem>>) src(%dma_wait3A_327 : memref<1024xf32, #tpu.memory_space<vmem>>) dst(%dma_wait3A_325 : memref<1024xf32, #tpu.memory_space<hbm>>)
    %dma_wait3A_328 = arith.constant 0 : i32
    %dma_wait3A_329 = arith.constant 0 : i32
    %dma_wait3A_330 = tpu.memref_slice %arg5[%dma_wait3A_329] : memref<33792xf32, #tpu.memory_space<vmem>> -> memref<1024xf32, #tpu.memory_space<vmem>>
    %dma_wait3A_331 = arith.constant 0 : i32
    %dma_wait3A_332 = tpu.memref_slice %arg4[%dma_wait3A_328, %dma_wait3A_331] : memref<65536x1024xf32, #tpu.memory_space<hbm>> -> memref<1x1024xf32, #tpu.memory_space<hbm>>
    %dma_wait3A_333 = tpu.memref_squeeze %dma_wait3A_332 : memref<1x1024xf32, #tpu.memory_space<hbm>> -> memref<1024xf32, #tpu.memory_space<hbm>>
    %dma_wait3A_334 = arith.constant 0 : i32
    %dma_wait3A_335 = tpu.memref_slice %arg4[%dma_wait3A_328, %dma_wait3A_334] : memref<65536x1024xf32, #tpu.memory_space<hbm>> -> memref<1x1024xf32, #tpu.memory_space<hbm>>
    %dma_wait3A_336 = tpu.memref_squeeze %dma_wait3A_335 : memref<1x1024xf32, #tpu.memory_space<hbm>> -> memref<1024xf32, #tpu.memory_space<hbm>>
    %dma_wait3A_337 = arith.constant 0 : i32
    %dma_wait3A_338 = tpu.memref_slice %arg5[%dma_wait3A_337] : memref<33792xf32, #tpu.memory_space<vmem>> -> memref<1024xf32, #tpu.memory_space<vmem>>
    tpu.wait_dma2 semaphore(%arg8 : memref<!tpu.dma_semaphore, #tpu.memory_space<semaphore_mem>>) src(%dma_wait3A_338 : memref<1024xf32, #tpu.memory_space<vmem>>) dst(%dma_wait3A_336 : memref<1024xf32, #tpu.memory_space<hbm>>)
    %dma_wait3A_339 = arith.constant 0 : i32
    %dma_wait3A_340 = arith.constant 0 : i32
    %dma_wait3A_341 = tpu.memref_slice %arg5[%dma_wait3A_340] : memref<33792xf32, #tpu.memory_space<vmem>> -> memref<1024xf32, #tpu.memory_space<vmem>>
    %dma_wait3A_342 = arith.constant 0 : i32
    %dma_wait3A_343 = tpu.memref_slice %arg4[%dma_wait3A_339, %dma_wait3A_342] : memref<65536x1024xf32, #tpu.memory_space<hbm>> -> memref<1x1024xf32, #tpu.memory_space<hbm>>
    %dma_wait3A_344 = tpu.memref_squeeze %dma_wait3A_343 : memref<1x1024xf32, #tpu.memory_space<hbm>> -> memref<1024xf32, #tpu.memory_space<hbm>>
    %dma_wait3A_345 = arith.constant 0 : i32
    %dma_wait3A_346 = tpu.memref_slice %arg4[%dma_wait3A_339, %dma_wait3A_345] : memref<65536x1024xf32, #tpu.memory_space<hbm>> -> memref<1x1024xf32, #tpu.memory_space<hbm>>
    %dma_wait3A_347 = tpu.memref_squeeze %dma_wait3A_346 : memref<1x1024xf32, #tpu.memory_space<hbm>> -> memref<1024xf32, #tpu.memory_space<hbm>>
    %dma_wait3A_348 = arith.constant 0 : i32
    %dma_wait3A_349 = tpu.memref_slice %arg5[%dma_wait3A_348] : memref<33792xf32, #tpu.memory_space<vmem>> -> memref<1024xf32, #tpu.memory_space<vmem>>
    tpu.wait_dma2 semaphore(%arg8 : memref<!tpu.dma_semaphore, #tpu.memory_space<semaphore_mem>>) src(%dma_wait3A_349 : memref<1024xf32, #tpu.memory_space<vmem>>) dst(%dma_wait3A_347 : memref<1024xf32, #tpu.memory_space<hbm>>)
    %dma_wait3A_350 = arith.constant 0 : i32
    %dma_wait3A_351 = arith.constant 0 : i32
    %dma_wait3A_352 = tpu.memref_slice %arg5[%dma_wait3A_351] : memref<33792xf32, #tpu.memory_space<vmem>> -> memref<1024xf32, #tpu.memory_space<vmem>>
    %dma_wait3A_353 = arith.constant 0 : i32
    %dma_wait3A_354 = tpu.memref_slice %arg4[%dma_wait3A_350, %dma_wait3A_353] : memref<65536x1024xf32, #tpu.memory_space<hbm>> -> memref<1x1024xf32, #tpu.memory_space<hbm>>
    %dma_wait3A_355 = tpu.memref_squeeze %dma_wait3A_354 : memref<1x1024xf32, #tpu.memory_space<hbm>> -> memref<1024xf32, #tpu.memory_space<hbm>>
    %dma_wait3A_356 = arith.constant 0 : i32
    %dma_wait3A_357 = tpu.memref_slice %arg4[%dma_wait3A_350, %dma_wait3A_356] : memref<65536x1024xf32, #tpu.memory_space<hbm>> -> memref<1x1024xf32, #tpu.memory_space<hbm>>
    %dma_wait3A_358 = tpu.memref_squeeze %dma_wait3A_357 : memref<1x1024xf32, #tpu.memory_space<hbm>> -> memref<1024xf32, #tpu.memory_space<hbm>>
    %dma_wait3A_359 = arith.constant 0 : i32
    %dma_wait3A_360 = tpu.memref_slice %arg5[%dma_wait3A_359] : memref<33792xf32, #tpu.memory_space<vmem>> -> memref<1024xf32, #tpu.memory_space<vmem>>
    tpu.wait_dma2 semaphore(%arg8 : memref<!tpu.dma_semaphore, #tpu.memory_space<semaphore_mem>>) src(%dma_wait3A_360 : memref<1024xf32, #tpu.memory_space<vmem>>) dst(%dma_wait3A_358 : memref<1024xf32, #tpu.memory_space<hbm>>)
    %dma_wait3A_361 = arith.constant 0 : i32
    %dma_wait3A_362 = arith.constant 0 : i32
    %dma_wait3A_363 = tpu.memref_slice %arg5[%dma_wait3A_362] : memref<33792xf32, #tpu.memory_space<vmem>> -> memref<1024xf32, #tpu.memory_space<vmem>>
    %dma_wait3A_364 = arith.constant 0 : i32
    %dma_wait3A_365 = tpu.memref_slice %arg4[%dma_wait3A_361, %dma_wait3A_364] : memref<65536x1024xf32, #tpu.memory_space<hbm>> -> memref<1x1024xf32, #tpu.memory_space<hbm>>
    %dma_wait3A_366 = tpu.memref_squeeze %dma_wait3A_365 : memref<1x1024xf32, #tpu.memory_space<hbm>> -> memref<1024xf32, #tpu.memory_space<hbm>>
    %dma_wait3A_367 = arith.constant 0 : i32
    %dma_wait3A_368 = tpu.memref_slice %arg4[%dma_wait3A_361, %dma_wait3A_367] : memref<65536x1024xf32, #tpu.memory_space<hbm>> -> memref<1x1024xf32, #tpu.memory_space<hbm>>
    %dma_wait3A_369 = tpu.memref_squeeze %dma_wait3A_368 : memref<1x1024xf32, #tpu.memory_space<hbm>> -> memref<1024xf32, #tpu.memory_space<hbm>>
    %dma_wait3A_370 = arith.constant 0 : i32
    %dma_wait3A_371 = tpu.memref_slice %arg5[%dma_wait3A_370] : memref<33792xf32, #tpu.memory_space<vmem>> -> memref<1024xf32, #tpu.memory_space<vmem>>
    tpu.wait_dma2 semaphore(%arg8 : memref<!tpu.dma_semaphore, #tpu.memory_space<semaphore_mem>>) src(%dma_wait3A_371 : memref<1024xf32, #tpu.memory_space<vmem>>) dst(%dma_wait3A_369 : memref<1024xf32, #tpu.memory_space<hbm>>)
    %dma_wait3A_372 = arith.constant 0 : i32
    %dma_wait3A_373 = arith.constant 0 : i32
    %dma_wait3A_374 = tpu.memref_slice %arg5[%dma_wait3A_373] : memref<33792xf32, #tpu.memory_space<vmem>> -> memref<1024xf32, #tpu.memory_space<vmem>>
    %dma_wait3A_375 = arith.constant 0 : i32
    %dma_wait3A_376 = tpu.memref_slice %arg4[%dma_wait3A_372, %dma_wait3A_375] : memref<65536x1024xf32, #tpu.memory_space<hbm>> -> memref<1x1024xf32, #tpu.memory_space<hbm>>
    %dma_wait3A_377 = tpu.memref_squeeze %dma_wait3A_376 : memref<1x1024xf32, #tpu.memory_space<hbm>> -> memref<1024xf32, #tpu.memory_space<hbm>>
    %dma_wait3A_378 = arith.constant 0 : i32
    %dma_wait3A_379 = tpu.memref_slice %arg4[%dma_wait3A_372, %dma_wait3A_378] : memref<65536x1024xf32, #tpu.memory_space<hbm>> -> memref<1x1024xf32, #tpu.memory_space<hbm>>
    %dma_wait3A_380 = tpu.memref_squeeze %dma_wait3A_379 : memref<1x1024xf32, #tpu.memory_space<hbm>> -> memref<1024xf32, #tpu.memory_space<hbm>>
    %dma_wait3A_381 = arith.constant 0 : i32
    %dma_wait3A_382 = tpu.memref_slice %arg5[%dma_wait3A_381] : memref<33792xf32, #tpu.memory_space<vmem>> -> memref<1024xf32, #tpu.memory_space<vmem>>
    tpu.wait_dma2 semaphore(%arg8 : memref<!tpu.dma_semaphore, #tpu.memory_space<semaphore_mem>>) src(%dma_wait3A_382 : memref<1024xf32, #tpu.memory_space<vmem>>) dst(%dma_wait3A_380 : memref<1024xf32, #tpu.memory_space<hbm>>)
    %dma_wait3A_383 = arith.constant 0 : i32
    %dma_wait3A_384 = arith.constant 0 : i32
    %dma_wait3A_385 = tpu.memref_slice %arg5[%dma_wait3A_384] : memref<33792xf32, #tpu.memory_space<vmem>> -> memref<1024xf32, #tpu.memory_space<vmem>>
    %dma_wait3A_386 = arith.constant 0 : i32
    %dma_wait3A_387 = tpu.memref_slice %arg4[%dma_wait3A_383, %dma_wait3A_386] : memref<65536x1024xf32, #tpu.memory_space<hbm>> -> memref<1x1024xf32, #tpu.memory_space<hbm>>
    %dma_wait3A_388 = tpu.memref_squeeze %dma_wait3A_387 : memref<1x1024xf32, #tpu.memory_space<hbm>> -> memref<1024xf32, #tpu.memory_space<hbm>>
    %dma_wait3A_389 = arith.constant 0 : i32
    %dma_wait3A_390 = tpu.memref_slice %arg4[%dma_wait3A_383, %dma_wait3A_389] : memref<65536x1024xf32, #tpu.memory_space<hbm>> -> memref<1x1024xf32, #tpu.memory_space<hbm>>
    %dma_wait3A_391 = tpu.memref_squeeze %dma_wait3A_390 : memref<1x1024xf32, #tpu.memory_space<hbm>> -> memref<1024xf32, #tpu.memory_space<hbm>>
    %dma_wait3A_392 = arith.constant 0 : i32
    %dma_wait3A_393 = tpu.memref_slice %arg5[%dma_wait3A_392] : memref<33792xf32, #tpu.memory_space<vmem>> -> memref<1024xf32, #tpu.memory_space<vmem>>
    tpu.wait_dma2 semaphore(%arg8 : memref<!tpu.dma_semaphore, #tpu.memory_space<semaphore_mem>>) src(%dma_wait3A_393 : memref<1024xf32, #tpu.memory_space<vmem>>) dst(%dma_wait3A_391 : memref<1024xf32, #tpu.memory_space<hbm>>)
    %dma_wait3A_394 = arith.constant 0 : i32
    %dma_wait3A_395 = arith.constant 0 : i32
    %dma_wait3A_396 = tpu.memref_slice %arg5[%dma_wait3A_395] : memref<33792xf32, #tpu.memory_space<vmem>> -> memref<1024xf32, #tpu.memory_space<vmem>>
    %dma_wait3A_397 = arith.constant 0 : i32
    %dma_wait3A_398 = tpu.memref_slice %arg4[%dma_wait3A_394, %dma_wait3A_397] : memref<65536x1024xf32, #tpu.memory_space<hbm>> -> memref<1x1024xf32, #tpu.memory_space<hbm>>
    %dma_wait3A_399 = tpu.memref_squeeze %dma_wait3A_398 : memref<1x1024xf32, #tpu.memory_space<hbm>> -> memref<1024xf32, #tpu.memory_space<hbm>>
    %dma_wait3A_400 = arith.constant 0 : i32
    %dma_wait3A_401 = tpu.memref_slice %arg4[%dma_wait3A_394, %dma_wait3A_400] : memref<65536x1024xf32, #tpu.memory_space<hbm>> -> memref<1x1024xf32, #tpu.memory_space<hbm>>
    %dma_wait3A_402 = tpu.memref_squeeze %dma_wait3A_401 : memref<1x1024xf32, #tpu.memory_space<hbm>> -> memref<1024xf32, #tpu.memory_space<hbm>>
    %dma_wait3A_403 = arith.constant 0 : i32
    %dma_wait3A_404 = tpu.memref_slice %arg5[%dma_wait3A_403] : memref<33792xf32, #tpu.memory_space<vmem>> -> memref<1024xf32, #tpu.memory_space<vmem>>
    tpu.wait_dma2 semaphore(%arg8 : memref<!tpu.dma_semaphore, #tpu.memory_space<semaphore_mem>>) src(%dma_wait3A_404 : memref<1024xf32, #tpu.memory_space<vmem>>) dst(%dma_wait3A_402 : memref<1024xf32, #tpu.memory_space<hbm>>)
    %dma_wait3A_405 = arith.constant 0 : i32
    %dma_wait3A_406 = arith.constant 0 : i32
    %dma_wait3A_407 = tpu.memref_slice %arg5[%dma_wait3A_406] : memref<33792xf32, #tpu.memory_space<vmem>> -> memref<1024xf32, #tpu.memory_space<vmem>>
    %dma_wait3A_408 = arith.constant 0 : i32
    %dma_wait3A_409 = tpu.memref_slice %arg4[%dma_wait3A_405, %dma_wait3A_408] : memref<65536x1024xf32, #tpu.memory_space<hbm>> -> memref<1x1024xf32, #tpu.memory_space<hbm>>
    %dma_wait3A_410 = tpu.memref_squeeze %dma_wait3A_409 : memref<1x1024xf32, #tpu.memory_space<hbm>> -> memref<1024xf32, #tpu.memory_space<hbm>>
    %dma_wait3A_411 = arith.constant 0 : i32
    %dma_wait3A_412 = tpu.memref_slice %arg4[%dma_wait3A_405, %dma_wait3A_411] : memref<65536x1024xf32, #tpu.memory_space<hbm>> -> memref<1x1024xf32, #tpu.memory_space<hbm>>
    %dma_wait3A_413 = tpu.memref_squeeze %dma_wait3A_412 : memref<1x1024xf32, #tpu.memory_space<hbm>> -> memref<1024xf32, #tpu.memory_space<hbm>>
    %dma_wait3A_414 = arith.constant 0 : i32
    %dma_wait3A_415 = tpu.memref_slice %arg5[%dma_wait3A_414] : memref<33792xf32, #tpu.memory_space<vmem>> -> memref<1024xf32, #tpu.memory_space<vmem>>
    tpu.wait_dma2 semaphore(%arg8 : memref<!tpu.dma_semaphore, #tpu.memory_space<semaphore_mem>>) src(%dma_wait3A_415 : memref<1024xf32, #tpu.memory_space<vmem>>) dst(%dma_wait3A_413 : memref<1024xf32, #tpu.memory_space<hbm>>)
    return
  }
}

</mosaic_0001>

<sc_bundles>
// kernel: kernel.3.cloned.1.call-start
scs
__scs_entry_jumppad:
0x0: {  	(pc) =	sbr.rel $0x88, $3  }
0x1: {  	(tag) =	ssettag $0x0;
	lr =	simm.s32 $0x1  }
0x2: {  	[smem:$0x3F9F] =	sst lr;
	_ =	strace $0xD0000000  }
0x3: {  	_ = 	snop  }
0x4: {  	_ = 	snop  }
0x5: {  	_ = 	snop  }
0x6: {  	_ = 	snop  }
0x7: {  	_ = 	snop  }
__scs_overlays_trampoline_lowered:
0x8: {  	[smem:$0x3FAE] =	sst s0  }
0x9: {  	[smem:$0x3FAF] =	sst s1  }
0xa: {  	[smem:$0x3FB0] =	sst s2  }
0xb: {  	[smem:$0x3FB1] =	sst s3  }
0xc: {  	[smem:$0x3FB2] =	sst s4  }
0xd: {  	[smem:$0x3FB3] =	sst s5  }
0xe: {  	[smem:$0x3FB4] =	sst s6  }
0xf: {  	[smem:$0x3FB5] =	sst s7  }
0x10: {  	[smem:$0x3FB6] =	sst s8  }
0x11: {  	[smem:$0x3FB7] =	sst s9;
	s0 =	simm.s32 @!p0 $0x0  }
0x12: {  	s1 =	sld [smem:$0x3F9D];
	s0 =	simm.s32 @p0 $0x1  }
0x13: {  	[smem:$0x3FB8] =	sst s0;
	s0 =	simm.s32 @!p1 $0x0  }
0x14: {  	s2 =	sld [smem:$0x3F9C];
	s0 =	simm.s32 @p1 $0x1  }
0x15: {  	[smem:$0x3FB9] =	sst s0;
	s0 =	simm.s32 @!p2 $0x0  }
0x16: {  	s3 =	sld [smem:$0x3FDB];
	s0 =	simm.s32 @p2 $0x1  }
0x17: {  	s4 =	simm.s32 $0x1BF5;
	[smem:$0x3FBB] =	sst s0  }
0x18: {  	s0 =	sld [smem:$0x3F9E];
	_ =	swait.ge [sflag:s4], $0x0  }
0x19: {  	s7 =	sld [smem:$0x3F9F]  }
0x1a: {  	s8 =	sadd.s32 $0xFFFFE003, lr  }
0x1b: {  	s9 =	sadd.s32 $0xFFFFFEF7, lr;
	s5 =	simm.s32 $0xFFFFFFFF;
	p2 =	slt.u32 s8, $0xFFFFF086  }
0x1c: {  	p1 =	slt.u32 s9, $0xF7A;
	s5 =	simm.s32 @!p2 $0x0  }
0x1d: {  	s5 =	simm.s32 @p1 $0x1;
	p0 =	seq.s32 s7, s2  }
0x1e: {  	s7 =	smul.u32 @!p0 $0xF7A, s2;
	p2 =	seq.s32 @!p0 s5, $0x0  }
0x1f: {  	s9 =	smul.u32 $0xF7A, s1;
	s8 =	simm.s32 @!p0 $0x1BF5;
	p2 =	por !p2, p0  }
0x20: {  	[sflag:s8] =	ssyncset.s32 @!p0 $0xFFFFF086;
	s6 =	sadd.s32 @!p0 s3, s7;
	s7 =	simm.s32 @!p0 $0x108  }
0x21: {  	s3 =	sadd.s32 s3, s9;
	s6 =	sadd.s32 @!p0 $0x88, s6;
	s7 =	simm.s32 @p2 $0x1082  }
0x22: {  	[simem:s7], [sflag:s8] =	dma.local @!p0 [hbm:s6], $0xF7A  }
0x23: {  	s9 =	sor.u32 $0xD0000000, s2;
	s6 =	simm.s32 $0x108;
	_ =	swait.ge @!p0 [sflag:s8], $0x0  }
0x24: {  	s3 =	sadd.s32 $0x88, s3;
	s6 =	simm.s32 @!p1 $0x1082;
	[sflag:s4] =	ssyncset.s32 $0xFFFFF086  }
0x25: {  	[simem:s6], [sflag:s4] =	dma.local [hbm:s3], $0xF7A  }
0x26: {  	[smem:$0x3F9F] =	sst s1;
	(tag) =	ssettag s2;
	_ =	strace s9  }
0x27: {  	s1 =	sld [smem:$0x3FAF]  }
0x28: {  	s2 =	sld [smem:$0x3FB0]  }
0x29: {  	s4 =	sld [smem:$0x3FB2]  }
0x2a: {  	p0 =	seq.s32 s5, $0x0;
	s5 =	sld [smem:$0x3FB3]  }
0x2b: {  	s6 =	sld [smem:$0x3FB4]  }
0x2c: {  	s7 =	sld [smem:$0x3FB5]  }
0x2d: {  	s3 =	simm.s32 $0x108;
	s8 =	sld [smem:$0x3FB6]  }
0x2e: {  	s3 =	simm.s32 @!p0 $0x1082;
	s9 =	sld [smem:$0x3FB7]  }
0x2f: {  	lr =	sadd.s32 s0, s3;
	s0 =	sld [smem:$0x3FAE]  }
0x30: {  	s3 =	sld [smem:$0x3FB1]  }
0x31: {  	[smem:$0x3FBA] =	sst s10  }
0x32: {  	s10 =	sld [smem:$0x3FB8];
	_ =	sdelay $0x3  }
0x33: {  	p0 =	seq.s32 s10, $0x1;
	s10 =	sld [smem:$0x3FBA];
	_ =	sdelay $0x3  }
0x34: {  	[smem:$0x3FBA] =	sst s10  }
0x35: {  	s10 =	sld [smem:$0x3FB9];
	_ =	sdelay $0x3  }
0x36: {  	p1 =	seq.s32 s10, $0x1;
	s10 =	sld [smem:$0x3FBA];
	_ =	sdelay $0x3  }
0x37: {  	[smem:$0x3FBA] =	sst s10  }
0x38: {  	s10 =	sld [smem:$0x3FBB]  }
0x39: {  	_ = 	snop;
	(pc) =	sbr.ind lr, $3  }
0x3a: {  	_ = 	snop  }
0x3b: {  	_ = 	snop  }
0x3c: {  	p2 =	seq.s32 s10, $0x1;
	s10 =	sld [smem:$0x3FBA]  }
0x3d: {  	_ =	shalt  }
0x3e: {  	_ =	shalt  }
0x3f: {  	_ =	shalt  }
0x40: {  	_ =	shalt  }
0x41: {  	_ =	shalt  }
0x42: {  	_ =	shalt  }
0x43: {  	_ =	shalt  }
0x44: {  	_ =	shalt  }
0x45: {  	_ =	shalt  }
0x46: {  	_ =	shalt  }
0x47: {  	_ =	shalt  }
0x48: {  	_ =	shalt  }
0x49: {  	_ =	shalt  }
0x4a: {  	_ =	shalt  }
0x4b: {  	_ =	shalt  }
0x4c: {  	_ =	shalt  }
0x4d: {  	_ =	shalt  }
0x4e: {  	_ =	shalt  }
0x4f: {  	_ =	shalt  }
0x50: {  	_ =	shalt  }
0x51: {  	_ =	shalt  }
0x52: {  	_ =	shalt  }
0x53: {  	_ =	shalt  }
0x54: {  	_ =	shalt  }
0x55: {  	_ =	shalt  }
0x56: {  	_ =	shalt  }
0x57: {  	_ =	shalt  }
0x58: {  	_ =	shalt  }
0x59: {  	_ =	shalt  }
0x5a: {  	_ =	shalt  }
0x5b: {  	_ =	shalt  }
0x5c: {  	_ =	shalt  }
0x5d: {  	_ =	shalt  }
0x5e: {  	_ =	shalt  }
0x5f: {  	_ =	shalt  }
0x60: {  	_ =	shalt  }
0x61: {  	_ =	shalt  }
0x62: {  	_ =	shalt  }
0x63: {  	_ =	shalt  }
0x64: {  	_ =	shalt  }
0x65: {  	_ =	shalt  }
0x66: {  	_ =	shalt  }
0x67: {  	_ =	shalt  }
0x68: {  	_ =	shalt  }
0x69: {  	_ =	shalt  }
0x6a: {  	_ =	shalt  }
0x6b: {  	_ =	shalt  }
0x6c: {  	_ =	shalt  }
0x6d: {  	_ =	shalt  }
0x6e: {  	_ =	shalt  }
0x6f: {  	_ =	shalt  }
0x70: {  	_ =	shalt  }
0x71: {  	_ =	shalt  }
0x72: {  	_ =	shalt  }
0x73: {  	_ =	shalt  }
0x74: {  	_ =	shalt  }
0x75: {  	_ =	shalt  }
0x76: {  	_ =	shalt  }
0x77: {  	_ =	shalt  }
0x78: {  	_ =	shalt  }
0x79: {  	_ =	shalt  }
0x7a: {  	_ =	shalt  }
0x7b: {  	_ =	shalt  }
0x7c: {  	_ =	shalt  }
0x7d: {  	_ =	shalt  }
0x7e: {  	_ =	shalt  }
0x7f: {  	_ =	shalt  }
0x80: {  	_ =	shalt  }
0x81: {  	_ =	shalt  }
0x82: {  	_ =	shalt  }
0x83: {  	_ =	shalt  }
0x84: {  	_ =	shalt  }
0x85: {  	_ =	shalt  }
0x86: {  	_ =	shalt  }
0x87: {  	_ =	shalt  }
.Lfunc_end0:
.L_simem_size_0:
called_computation_lowered:
.L_overlay_start_0:
0x88: {  	s2 =	sld [smem:$0x3FD9]  }
0x89: {  	s3 =	sld [smem:$0x3FFE];
	_ =	sdelay $0x1  }
0x8a: {  	s1 =	srdreg.scid  }
0x8b: {  	s0 =	sand.u32 $0x1, s1  }
0x8c: {  	s17 =	sshll.u32 s0, $0xA;
	s2 =	sadd.s32 s3, s2  }
0x8d: {  	s2 =	sadd.s32 s2, s17  }
0x8e: {  	[smem:$0x3FC6] =	sst s2  }
0x8f: {  	_ = 	snop  }
0x90: {  	s2 =	sld [smem:$0x3FD0];
	(tm) =	ssettm $0x1  }
0x91: {  	s18 =	sld [smem:$0x3FFB];
	_ =	sdelay $0x3  }
0x92: {  	_ =	strace s18  }
0x93: {  	s3 =	sld [smem:$0x3FFC];
	_ =	sdelay $0x3  }
0x94: {  	_ =	strace s3  }
0x95: {  	s3 =	sld [smem:$0x3FFD];
	_ =	sdelay $0x3  }
0x96: {  	_ =	strace s3  }
0x97: {  	_ =	strace $0x8FFFFFFF  }
0x98: {  	s19 =	sld [smem:$0x3FDB];
	_ =	sdelay $0x1  }
0x99: {  	s4 =	simm.s32 $_scs_section_size  }
0x9a: {  	s5 =	simm.s32 $_size__tile_overlayer_lowered;
	s6 =	simm.s32 $_tile_overlayer_lowered  }
0x9b: {  	s22 =	simm.s32 $0x1BFF;
	s21 =	sshll.u32 s6, $0x1;
	s3 =	sadd.s32 s4, s19  }
0x9c: {  	s7 =	simm.s32 $0x0;
	s20 =	sshll.u32 s5, $0x1;
	s5 =	sadd.s32 s21, s3  }
0x9d: {  	[timem:s7], [sflag:s22] =	dma.local [hbm:s5], s20  }
0x9e: {  	_ =	swait.ge [sflag:s22], s20  }
0x9f: {  	s4 =	ssub.s32 $0x0, s20;
	[sflag:s22] =	ssyncset.done $0x0  }
0xa0: {  	[sflag:s22] =	ssyncadd.s32 s4;
	_ =	sdelay $0x1  }
0xa1: {  	s23 =	simm.s32 $0x1B8B  }
0xa2: {  	_ =	swait.ge [sflag:s23], $0x1  }
0xa3: {  	[sflag:s23] =	ssyncset.done $0x0  }
0xa4: {  	s25 =	simm.s32 $0x1B8E;
	s24 =	sld [smem:$0x3FFE];
	[sflag:s23] =	ssyncadd.s32 $0xFFFFFFFF  }
0xa5: {  	s26 =	simm.s32 $execute0_lowered;
	[smem:$0x3FD2] =	sst s25  }
0xa6: {  	s5 =	sshll.u32 s26, $0x1;
	_ =	strace $0x80000046;
	[dreg:$0x1] =	wrdreg $0xFFFFFFFF  }
0xa7: {  	s28 =	simm.s32 $_size_execute0_lowered;
	s3 =	sadd.s32 s3, s5;
	[dreg:$0x0] =	wrdreg $0x0  }
0xa8: {  	s5 =	sshll.u32 s28, $0x1;
	[dreg:$0x2] =	wrdreg s3  }
0xa9: {  	[dreg:$0x3] =	wrdreg s5  }
0xaa: {  	[dreg:$0x4] =	wrdreg $0xC0  }
0xab: {  	_ =	task [dreg:s7], $0x5FFFF  }
0xac: {  	[dreg:$0x1] =	wrdreg $0xFFFFFFFF  }
0xad: {  	[dreg:$0x0] =	wrdreg $0x60  }
0xae: {  	[dreg:$0x2] =	wrdreg s24  }
0xaf: {  	[dreg:$0x3] =	wrdreg s2  }
0xb0: {  	[dreg:$0x4] =	wrdreg $0x9  }
0xb1: {  	_ =	task.clear_ibuf [dreg:s7], $0x5FFFF;
	_ =	strace $0x90000046  }
0xb2: {  	s29 =	simm.s32 $0x9;
	_ =	strace $0x80000048  }
0xb3: {  	_ =	swait.ge [sflag:s29], $0x1  }
0xb4: {  	[sflag:s29] =	ssyncadd.s32 $0xFFFFFFFF  }
0xb5: {  	_ =	strace $0x90000048  }
0xb6: {  	_ =	sfence  }
0xb7: {  	s30 =	sld [smem:$0x0];
	_ =	sdelay $0x2  }
0xb8: {  	s31 =	sshll.u32 s1, $0xD;
	s1 =	sshrl.u32 s1, $0x2  }
0xb9: {  	s3 =	sand.u32 $0x4000, s31;
	s1 =	sadd.s32 s1, s30  }
0xba: {  	s0 =	sor.u32 s3, s0;
	s1 =	sshll.u32 s1, $0x11  }
0xbb: {  	s0 =	sor.u32 s1, s0  }
0xbc: {  	s0 =	sadd.s32 $0x8F2B, s0  }
0xbd: {  	[sflag:s0] =	ssyncadd.remote.s32 $0x1  }
0xbe: {  	_ =	sfence.sel $0xFFFF  }
0xbf: {  	[dreg:$0x0] =	wrdreg $0xFFFFFFFF;
	(pc) =	sbr.abs _section_cstart, $3  }
0xc0: {  	[dreg:$0x1] =	wrdreg $0xFFFFFFFF  }
0xc1: {  	_ =	task.clear_ibuf [dreg:s7], $0x2FFFF;
	_ =	strace $0x9FFFFFFF  }
0xc2: {  	(tm) =	ssettm $0x7FFFFFFF  }
0xc3: {  	_ =	shalt  }
tec
execute0_lowered:
.L_overlay_start_1:
0x0: {  	(tag) =	ssettag $0x1  }
0x1: {  	s0 =	rddreg [dreg:$0x0]  }
0x2: {  	s1 =	rddreg [dreg:$0x1]  }
0x3: {  	s2 =	srdreg.scid;
	s18 =	stileid.u32;
	s23 =	simm.s32 $0x3  }
0x4: {  	s24 =	simm.s32 $0x1;
	s25 =	simm.s32 $0x80;
	s26 =	simm.s32 $0x400  }
0x5: {  	s28 =	simm.s32 $0x2;
	s29 =	simm.s32 $0x0;
	s19 =	sand.u32 $0x1, s2  }
0x6: {  	s2 =	simm.s32 $0x0;
	s3 =	sshll.u32 s18, $0xC;
	s20 =	sshll.u32 s18, $0x13  }
0x7: {  	s4 =	sshll.u32 s19, $0xB;
	[smem:$0x7FF] =	sst s2;
	s6 =	ssub.s32 $0x2, s19  }
0x8: {  	s21 =	sshll.u32 s19, $0x12;
	s3 =	sor.u32 s4, s3;
	_ =	strace $0x80000047  }
0x9: {  	s31 =	sshrl.u32 s6, $0x1;
	s4 =	sshrl.u32 s3, $0x3;
	s30 =	sshll.u32 s3, $0x7  }
0xa: {  	s3 =	sadd.s32 $0x400, s0;
	s5 =	sadd.s32 s4, s0;
	s4 =	sadd.s32 s1, s30  }
0xb: {  	s0 =	ssub.s32 s6, s31;
	s1 =	sadd.s32 s20, s1;
	s5 =	sadd.s32 $0x1600, s5  }
0xc: {  	s6 =	sadd.s32 $0x10, s4;
	s7 =	sadd.s32 $0x20, s4;
	s8 =	sadd.s32 $0x30, s4  }
0xd: {  	s9 =	sadd.s32 $0x40, s4;
	s10 =	sadd.s32 $0x50, s4;
	s11 =	sadd.s32 $0x60, s4  }
0xe: {  	s12 =	sadd.s32 $0x70, s4;
	s13 =	sadd.s32 $0x400, s4;
	s14 =	sadd.s32 $0x410, s4  }
0xf: {  	s15 =	sadd.s32 $0x420, s4;
	s16 =	sadd.s32 $0x430, s4;
	s17 =	sadd.s32 $0x440, s4  }
0x10: {  	s18 =	sadd.s32 $0x450, s4;
	s19 =	sadd.s32 $0x460, s4;
	s1 =	sadd.s32 s21, s1  }
0x11: {  	s20 =	sadd.s32 $0x470, s4;
	s21 =	smax.u32 s0, $0x1;
	[dreg:$0x3] =	wrdreg s1  }
.LBB2_1:
0x12: {  	s0 =	simm.s32 $0x8400  }
0x13: {  	[tilespmem:s0], [sflag:$0x1] =	stream.linear.gather [hbm4b:s5+s2], $0x800, $0x38;
	[tilespmem:$0x8C00] =	vst v63  }
0x14: {  	_ = 	snop  }
0x15: {  	[tilespmem:s2], [sflag:$0x3] =	stream.linear.gather [hbm4b:s3+s2], $0x8400, $0x38;
	[tilespmem:$0x8C00] =	vst v63  }
0x16: {  	_ =	swait.ge [sflag:s23], $0x8400  }
0x17: {  	[sflag:s23] =	ssyncset.done $0x0  }
0x18: {  	s0 =	simm.s32 $0x0;
	[sflag:s23] =	ssyncadd.s32 $0xFFFF7C00  }
0x19: {  	v0 =	vld [tilespmem:s0+$0x0]  }
0x1a: {  	v1 =	vld [tilespmem:s0+$0x10]  }
0x1b: {  	v2 =	vld [tilespmem:s0+$0x20]  }
0x1c: {  	v3 =	vld [tilespmem:s0+$0x30]  }
0x1d: {  	v4 =	vld [tilespmem:s0+$0x40]  }
0x1e: {  	v5 =	vld [tilespmem:s0+$0x50];
	v0 =	vmul.f32 $3.200000000e+01, v0  }
0x1f: {  	v6 =	vld [tilespmem:s0+$0x60];
	v1 =	vmul.f32 $3.200000000e+01, v1  }
0x20: {  	v7 =	vld [tilespmem:s0+$0x70];
	[tilespmem:s0+$0x0] =	vst v0;
	v0 =	vmul.f32 $3.200000000e+01, v2  }
0x21: {  	v8 =	vld [tilespmem:s0+$0x80];
	[tilespmem:s0+$0x10] =	vst v1;
	v1 =	vmul.f32 $3.200000000e+01, v3  }
0x22: {  	v9 =	vld [tilespmem:s0+$0x90];
	[tilespmem:s0+$0x20] =	vst v0;
	v0 =	vmul.f32 $3.200000000e+01, v4  }
0x23: {  	v2 =	vmul.f32 $3.200000000e+01, v5;
	[tilespmem:s0+$0x30] =	vst v1;
	v1 =	vld [tilespmem:s0+$0xA0]  }
0x24: {  	v3 =	vmul.f32 $3.200000000e+01, v6;
	[tilespmem:s0+$0x40] =	vst v0;
	v0 =	vld [tilespmem:s0+$0xB0]  }
0x25: {  	[tilespmem:s0+$0x50] =	vst v2;
	v2 =	vld [tilespmem:s0+$0xC0];
	v4 =	vmul.f32 $3.200000000e+01, v7  }
0x26: {  	v6 =	vmul.f32 $3.200000000e+01, v8;
	[tilespmem:s0+$0x60] =	vst v3;
	v3 =	vld [tilespmem:s0+$0xD0]  }
0x27: {  	s30 =	simm.s32 $0x400;
	v5 =	vmul.f32 $3.200000000e+01, v9;
	[tilespmem:s0+$0x70] =	vst v4;
	v4 =	vld [tilespmem:s0+$0xE0]  }
.LBB2_2:
0x28: {  	s1 =	sshra.s32 s30, $0x2;
	p0 =	sne.s32 s30, $0x20C00;
	[tilespmem:s0+$0x80] =	vst v6;
	v1 =	vmul.f32 $3.200000000e+01, v1;
	v6 =	vld [tilespmem:s0+$0xF0]  }
0x29: {  	v7 =	vld [tilespmem:s1+$0x0];
	[tilespmem:s0+$0x90] =	vst v5;
	v0 =	vmul.f32 $3.200000000e+01, v0  }
0x2a: {  	v5 =	vld [tilespmem:s1+$0x10];
	[tilespmem:s0+$0xA0] =	vst v1;
	v1 =	vmul.f32 $3.200000000e+01, v2  }
0x2b: {  	v2 =	vld [tilespmem:s1+$0x20];
	[tilespmem:s0+$0xB0] =	vst v0;
	v0 =	vmul.f32 $3.200000000e+01, v3  }
0x2c: {  	v3 =	vld [tilespmem:s1+$0x30];
	[tilespmem:s0+$0xC0] =	vst v1;
	v1 =	vmul.f32 $3.200000000e+01, v4  }
0x2d: {  	v4 =	vld [tilespmem:s1+$0x40];
	[tilespmem:s0+$0xD0] =	vst v0;
	v0 =	vmul.f32 $3.200000000e+01, v6  }
0x2e: {  	v6 =	vmul.f32 $3.200000000e+01, v7;
	v7 =	vld [tilespmem:s1+$0x50];
	[tilespmem:s0+$0xE0] =	vst v1  }
0x2f: {  	v1 =	vmul.f32 $3.200000000e+01, v5;
	v5 =	vld [tilespmem:s1+$0x60];
	[tilespmem:s0+$0xF0] =	vst v0;
	s0 =	smov.u32 s1  }
0x30: {  	[tilespmem:s0+$0x0] =	vst v6;
	v0 =	vmul.f32 $3.200000000e+01, v2;
	v2 =	vld [tilespmem:s0+$0x70]  }
0x31: {  	[tilespmem:s0+$0x10] =	vst v1;
	v1 =	vmul.f32 $3.200000000e+01, v3;
	v3 =	vld [tilespmem:s0+$0x80]  }
0x32: {  	[tilespmem:s0+$0x20] =	vst v0;
	v0 =	vmul.f32 $3.200000000e+01, v4;
	v4 =	vld [tilespmem:s0+$0x90]  }
.Ltmp0:
0x33: {  	[tilespmem:s0+$0x30] =	vst v1;
	v6 =	vmul.f32 $3.200000000e+01, v7;
	v1 =	vld [tilespmem:s0+$0xA0];
	(pc) =	sbr.rel @p0 .LBB2_2-.Ltmp0, $4  }
0x34: {  	[tilespmem:s0+$0x40] =	vst v0;
	v5 =	vmul.f32 $3.200000000e+01, v5;
	v0 =	vld [tilespmem:s0+$0xB0]  }
0x35: {  	[tilespmem:s0+$0x50] =	vst v6;
	v7 =	vmul.f32 $3.200000000e+01, v2;
	v2 =	vld [tilespmem:s0+$0xC0]  }
0x36: {  	[tilespmem:s0+$0x60] =	vst v5;
	v6 =	vmul.f32 $3.200000000e+01, v3;
	v3 =	vld [tilespmem:s0+$0xD0]  }
0x37: {  	s30 =	sadd.s32 $0x400, s30;
	[tilespmem:s0+$0x70] =	vst v7;
	v5 =	vmul.f32 $3.200000000e+01, v4;
	v4 =	vld [tilespmem:s0+$0xE0]  }
0x38: {  	[tilespmem:s0+$0x80] =	vst v6;
	v1 =	vmul.f32 $3.200000000e+01, v1;
	v57 =	vld [tilespmem:s0+$0xF0]  }
0x39: {  	[tilespmem:s0+$0x90] =	vst v5;
	v0 =	vmul.f32 $3.200000000e+01, v0  }
0x3a: {  	[tilespmem:s0+$0xA0] =	vst v1;
	v58 =	vmul.f32 $3.200000000e+01, v2  }
0x3b: {  	[tilespmem:s0+$0xB0] =	vst v0;
	v59 =	vmul.f32 $3.200000000e+01, v3  }
0x3c: {  	[tilespmem:s0+$0xC0] =	vst v58;
	v60 =	vmul.f32 $3.200000000e+01, v4  }
0x3d: {  	[tilespmem:s0+$0xD0] =	vst v59;
	v61 =	vmul.f32 $3.200000000e+01, v57  }
0x3e: {  	[tilespmem:s0+$0xE0] =	vst v60  }
0x3f: {  	[tilespmem:s0+$0xF0] =	vst v61  }
0x40: {  	_ =	swait.ge [sflag:s24], $0x800  }
0x41: {  	[sflag:s24] =	ssyncset.done $0x0  }
0x42: {  	[sflag:s24] =	ssyncadd.s32 $0xFFFFF800  }
0x43: {  	v62 =	vld [tilespmem:$0x8400];
	_ =	sdelay $0x4  }
0x44: {  	v0 =	vshll.u32 v62, $0xC  }
0x45: {  	v0 =	vshra.s32 v0, $0x2  }
0x46: {  	(v2sf) =	vpush v0, $0x0;
	_ =	sdelay $0x1  }
0x47: {  	(v2sf) =	vpush v0, $0x1;
	_ =	sdelay $0x1  }
0x48: {  	(v2sf) =	vpush v0, $0x2;
	_ =	sdelay $0x1  }
0x49: {  	(v2sf) =	vpush v0, $0x3;
	_ =	sdelay $0x1  }
0x4a: {  	(v2sf) =	vpush v0, $0x4;
	_ =	sdelay $0x1  }
0x4b: {  	(v2sf) =	vpush v0, $0x5;
	_ =	sdelay $0x1  }
0x4c: {  	(v2sf) =	vpush v0, $0x6;
	_ =	sdelay $0x1  }
0x4d: {  	(v2sf) =	vpush v0, $0x7  }
0x4e: {  	s22 =	spop (v2sf)  }
0x4f: {  	(v2sf) =	vpush v0, $0x8;
	[hbm4b:s4+s25] =	stream.strided.scatter [tilespmem:s22], [sflag:$0x2], $0x400, s26, s25, $0x38;
	[tilespmem:$0x8C00] =	vst v63  }
0x50: {  	s1 =	spop (v2sf)  }
0x51: {  	(v2sf) =	vpush v0, $0x9;
	[hbm4b:s6+s25] =	stream.strided.scatter [tilespmem:s1], [sflag:$0x2], $0x400, s26, s25, $0x38;
	[tilespmem:$0x8C00] =	vst v63  }
0x52: {  	s22 =	spop (v2sf)  }
0x53: {  	(v2sf) =	vpush v0, $0xA;
	[hbm4b:s7+s25] =	stream.strided.scatter [tilespmem:s22], [sflag:$0x2], $0x400, s26, s25, $0x38;
	[tilespmem:$0x8C00] =	vst v63  }
0x54: {  	s1 =	spop (v2sf)  }
0x55: {  	(v2sf) =	vpush v0, $0xB;
	[hbm4b:s8+s25] =	stream.strided.scatter [tilespmem:s1], [sflag:$0x2], $0x400, s26, s25, $0x38;
	[tilespmem:$0x8C00] =	vst v63  }
0x56: {  	s22 =	spop (v2sf)  }
0x57: {  	(v2sf) =	vpush v0, $0xC;
	[hbm4b:s9+s25] =	stream.strided.scatter [tilespmem:s22], [sflag:$0x2], $0x400, s26, s25, $0x38;
	[tilespmem:$0x8C00] =	vst v63  }
0x58: {  	s1 =	spop (v2sf)  }
0x59: {  	(v2sf) =	vpush v0, $0xD;
	[hbm4b:s10+s25] =	stream.strided.scatter [tilespmem:s1], [sflag:$0x2], $0x400, s26, s25, $0x38;
	[tilespmem:$0x8C00] =	vst v63  }
0x5a: {  	s22 =	spop (v2sf)  }
0x5b: {  	(v2sf) =	vpush v0, $0xE;
	[hbm4b:s11+s25] =	stream.strided.scatter [tilespmem:s22], [sflag:$0x2], $0x400, s26, s25, $0x38;
	[tilespmem:$0x8C00] =	vst v63  }
0x5c: {  	s1 =	spop (v2sf)  }
0x5d: {  	(v2sf) =	vpush v0, $0xF;
	[hbm4b:s12+s25] =	stream.strided.scatter [tilespmem:s1], [sflag:$0x2], $0x400, s26, s25, $0x38;
	[tilespmem:$0x8C00] =	vst v63  }
0x5e: {  	s22 =	spop (v2sf)  }
0x5f: {  	[hbm4b:s13+s25] =	stream.strided.scatter [tilespmem:s22], [sflag:$0x2], $0x400, s26, s25, $0x38;
	[tilespmem:$0x8C00] =	vst v63  }
0x60: {  	s1 =	spop (v2sf)  }
0x61: {  	[hbm4b:s14+s25] =	stream.strided.scatter [tilespmem:s1], [sflag:$0x2], $0x400, s26, s25, $0x38;
	[tilespmem:$0x8C00] =	vst v63  }
0x62: {  	s22 =	spop (v2sf)  }
0x63: {  	[hbm4b:s15+s25] =	stream.strided.scatter [tilespmem:s22], [sflag:$0x2], $0x400, s26, s25, $0x38;
	[tilespmem:$0x8C00] =	vst v63  }
0x64: {  	s1 =	spop (v2sf)  }
0x65: {  	[hbm4b:s16+s25] =	stream.strided.scatter [tilespmem:s1], [sflag:$0x2], $0x400, s26, s25, $0x38;
	[tilespmem:$0x8C00] =	vst v63  }
0x66: {  	s22 =	spop (v2sf)  }
0x67: {  	[hbm4b:s17+s25] =	stream.strided.scatter [tilespmem:s22], [sflag:$0x2], $0x400, s26, s25, $0x38;
	[tilespmem:$0x8C00] =	vst v63  }
0x68: {  	s1 =	spop (v2sf)  }
0x69: {  	[hbm4b:s18+s25] =	stream.strided.scatter [tilespmem:s1], [sflag:$0x2], $0x400, s26, s25, $0x38;
	[tilespmem:$0x8C00] =	vst v63  }
0x6a: {  	s22 =	spop (v2sf)  }
0x6b: {  	[hbm4b:s19+s25] =	stream.strided.scatter [tilespmem:s22], [sflag:$0x2], $0x400, s26, s25, $0x38;
	[tilespmem:$0x8C00] =	vst v63  }
0x6c: {  	s1 =	spop (v2sf);
	s22 =	simm.s32 $0x8410  }
0x6d: {  	[hbm4b:s20+s25] =	stream.strided.scatter [tilespmem:s1], [sflag:$0x2], $0x400, s26, s25, $0x38;
	[tilespmem:$0x8C00] =	vst v63  }
0x6e: {  	v63 =	vld [tilespmem:s22+$0x0];
	_ =	sdelay $0x4  }
0x6f: {  	v0 =	vshll.u32 v63, $0xC  }
0x70: {  	v0 =	vshra.s32 v0, $0x2  }
0x71: {  	(v2sf) =	vpush v0, $0x0;
	_ =	sdelay $0x3  }
0x72: {  	(v2sf) =	vpush v0, $0x1;
	_ =	sdelay $0x3  }
0x73: {  	(v2sf) =	vpush v0, $0x2;
	_ =	sdelay $0x2  }
0x74: {  	_ =	swait.ge [sflag:s28], $0x400  }
0x75: {  	(v2sf) =	vpush v0, $0x3  }
0x76: {  	s1 =	rddreg [dreg:$0x3]  }
0x77: {  	[sflag:s28] =	ssyncset.done $0x0;
	s0 =	sadd.s32 $0x0, s1  }
0x78: {  	[sflag:s28] =	ssyncadd.s32 $0xFFFFFC00;
	s1 =	sadd.s32 $0x800, s0;
	s30 =	spop (v2sf)  }
0x79: {  	(v2sf) =	vpush v0, $0x4;
	[hbm4b:s1+s25] =	stream.strided.scatter [tilespmem:s30], [sflag:$0x2], $0x400, s26, s25, $0x38;
	[tilespmem:$0x8C00] =	vst v63  }
0x7a: {  	_ =	swait.ge [sflag:s28], $0x400  }
0x7b: {  	[sflag:s28] =	ssyncset.done $0x0  }
0x7c: {  	s22 =	sadd.s32 $0x810, s0;
	s30 =	spop (v2sf);
	[sflag:s28] =	ssyncadd.s32 $0xFFFFFC00  }
0x7d: {  	(v2sf) =	vpush v0, $0x5;
	[hbm4b:s22+s25] =	stream.strided.scatter [tilespmem:s30], [sflag:$0x2], $0x400, s26, s25, $0x38;
	[tilespmem:$0x8C00] =	vst v63  }
0x7e: {  	_ =	swait.ge [sflag:s28], $0x400  }
0x7f: {  	[sflag:s28] =	ssyncset.done $0x0  }
0x80: {  	s22 =	sadd.s32 $0x820, s0;
	s30 =	spop (v2sf);
	[sflag:s28] =	ssyncadd.s32 $0xFFFFFC00  }
0x81: {  	(v2sf) =	vpush v0, $0x6;
	[hbm4b:s22+s25] =	stream.strided.scatter [tilespmem:s30], [sflag:$0x2], $0x400, s26, s25, $0x38;
	[tilespmem:$0x8C00] =	vst v63  }
0x82: {  	_ =	swait.ge [sflag:s28], $0x400  }
0x83: {  	[sflag:s28] =	ssyncset.done $0x0  }
0x84: {  	s22 =	sadd.s32 $0x830, s0;
	s30 =	spop (v2sf);
	[sflag:s28] =	ssyncadd.s32 $0xFFFFFC00  }
0x85: {  	(v2sf) =	vpush v0, $0x7;
	[hbm4b:s22+s25] =	stream.strided.scatter [tilespmem:s30], [sflag:$0x2], $0x400, s26, s25, $0x38;
	[tilespmem:$0x8C00] =	vst v63  }
0x86: {  	_ =	swait.ge [sflag:s28], $0x400  }
0x87: {  	[sflag:s28] =	ssyncset.done $0x0  }
0x88: {  	s22 =	sadd.s32 $0x840, s0;
	s30 =	spop (v2sf);
	[sflag:s28] =	ssyncadd.s32 $0xFFFFFC00  }
0x89: {  	(v2sf) =	vpush v0, $0x8;
	[hbm4b:s22+s25] =	stream.strided.scatter [tilespmem:s30], [sflag:$0x2], $0x400, s26, s25, $0x38;
	[tilespmem:$0x8C00] =	vst v63  }
0x8a: {  	_ =	swait.ge [sflag:s28], $0x400  }
0x8b: {  	[sflag:s28] =	ssyncset.done $0x0  }
0x8c: {  	s22 =	sadd.s32 $0x850, s0;
	s30 =	spop (v2sf);
	[sflag:s28] =	ssyncadd.s32 $0xFFFFFC00  }
0x8d: {  	(v2sf) =	vpush v0, $0x9;
	[hbm4b:s22+s25] =	stream.strided.scatter [tilespmem:s30], [sflag:$0x2], $0x400, s26, s25, $0x38;
	[tilespmem:$0x8C00] =	vst v63  }
0x8e: {  	_ =	swait.ge [sflag:s28], $0x400  }
0x8f: {  	[sflag:s28] =	ssyncset.done $0x0  }
0x90: {  	s22 =	sadd.s32 $0x860, s0;
	s30 =	spop (v2sf);
	[sflag:s28] =	ssyncadd.s32 $0xFFFFFC00  }
0x91: {  	(v2sf) =	vpush v0, $0xA;
	[hbm4b:s22+s25] =	stream.strided.scatter [tilespmem:s30], [sflag:$0x2], $0x400, s26, s25, $0x38;
	[tilespmem:$0x8C00] =	vst v63  }
0x92: {  	_ =	swait.ge [sflag:s28], $0x400  }
0x93: {  	[sflag:s28] =	ssyncset.done $0x0  }
0x94: {  	s22 =	sadd.s32 $0x870, s0;
	s30 =	spop (v2sf);
	[sflag:s28] =	ssyncadd.s32 $0xFFFFFC00  }
0x95: {  	(v2sf) =	vpush v0, $0xB;
	[hbm4b:s22+s25] =	stream.strided.scatter [tilespmem:s30], [sflag:$0x2], $0x400, s26, s25, $0x38;
	[tilespmem:$0x8C00] =	vst v63  }
0x96: {  	_ =	swait.ge [sflag:s28], $0x400  }
0x97: {  	[sflag:s28] =	ssyncset.done $0x0  }
0x98: {  	s22 =	sadd.s32 $0xC00, s0;
	s30 =	spop (v2sf);
	[sflag:s28] =	ssyncadd.s32 $0xFFFFFC00  }
0x99: {  	(v2sf) =	vpush v0, $0xC;
	[hbm4b:s22+s25] =	stream.strided.scatter [tilespmem:s30], [sflag:$0x2], $0x400, s26, s25, $0x38;
	[tilespmem:$0x8C00] =	vst v63  }
0x9a: {  	_ =	swait.ge [sflag:s28], $0x400  }
0x9b: {  	[sflag:s28] =	ssyncset.done $0x0  }
0x9c: {  	s22 =	sadd.s32 $0xC10, s0;
	s30 =	spop (v2sf);
	[sflag:s28] =	ssyncadd.s32 $0xFFFFFC00  }
0x9d: {  	(v2sf) =	vpush v0, $0xD;
	[hbm4b:s22+s25] =	stream.strided.scatter [tilespmem:s30], [sflag:$0x2], $0x400, s26, s25, $0x38;
	[tilespmem:$0x8C00] =	vst v63  }
0x9e: {  	_ =	swait.ge [sflag:s28], $0x400  }
0x9f: {  	[sflag:s28] =	ssyncset.done $0x0  }
0xa0: {  	s22 =	sadd.s32 $0xC20, s0;
	s30 =	spop (v2sf);
	[sflag:s28] =	ssyncadd.s32 $0xFFFFFC00  }
0xa1: {  	(v2sf) =	vpush v0, $0xE;
	[hbm4b:s22+s25] =	stream.strided.scatter [tilespmem:s30], [sflag:$0x2], $0x400, s26, s25, $0x38;
	[tilespmem:$0x8C00] =	vst v63  }
0xa2: {  	_ =	swait.ge [sflag:s28], $0x400  }
0xa3: {  	[sflag:s28] =	ssyncset.done $0x0  }
0xa4: {  	s22 =	sadd.s32 $0xC30, s0;
	s30 =	spop (v2sf);
	[sflag:s28] =	ssyncadd.s32 $0xFFFFFC00  }
0xa5: {  	(v2sf) =	vpush v0, $0xF;
	[hbm4b:s22+s25] =	stream.strided.scatter [tilespmem:s30], [sflag:$0x2], $0x400, s26, s25, $0x38;
	[tilespmem:$0x8C00] =	vst v63  }
0xa6: {  	_ =	swait.ge [sflag:s28], $0x400  }
0xa7: {  	[sflag:s28] =	ssyncset.done $0x0  }
0xa8: {  	s22 =	sadd.s32 $0xC40, s0;
	s30 =	spop (v2sf);
	[sflag:s28] =	ssyncadd.s32 $0xFFFFFC00  }
0xa9: {  	[hbm4b:s22+s25] =	stream.strided.scatter [tilespmem:s30], [sflag:$0x2], $0x400, s26, s25, $0x38;
	[tilespmem:$0x8C00] =	vst v63  }
0xaa: {  	_ =	swait.ge [sflag:s28], $0x400  }
0xab: {  	[sflag:s28] =	ssyncset.done $0x0  }
0xac: {  	s22 =	sadd.s32 $0xC50, s0;
	s30 =	spop (v2sf);
	[sflag:s28] =	ssyncadd.s32 $0xFFFFFC00  }
0xad: {  	[hbm4b:s22+s25] =	stream.strided.scatter [tilespmem:s30], [sflag:$0x2], $0x400, s26, s25, $0x38;
	[tilespmem:$0x8C00] =	vst v63  }
0xae: {  	_ =	swait.ge [sflag:s28], $0x400  }
0xaf: {  	[sflag:s28] =	ssyncset.done $0x0  }
0xb0: {  	s22 =	sadd.s32 $0xC60, s0;
	s30 =	spop (v2sf);
	[sflag:s28] =	ssyncadd.s32 $0xFFFFFC00  }
0xb1: {  	[hbm4b:s22+s25] =	stream.strided.scatter [tilespmem:s30], [sflag:$0x2], $0x400, s26, s25, $0x38;
	[tilespmem:$0x8C00] =	vst v63  }
0xb2: {  	_ =	swait.ge [sflag:s28], $0x400  }
0xb3: {  	s31 =	simm.s32 $0x8420;
	s0 =	sadd.s32 $0xC70, s0;
	[sflag:s28] =	ssyncset.done $0x0  }
0xb4: {  	s30 =	simm.s32 $0x800;
	s1 =	spop (v2sf);
	[sflag:s28] =	ssyncadd.s32 $0xFFFFFC00  }
.LBB2_4:
0xb5: {  	[hbm4b:s0+s25] =	stream.strided.scatter [tilespmem:s1], [sflag:$0x2], $0x400, s26, s25, $0x38;
	[tilespmem:$0x8C00] =	vst v63  }
0xb6: {  	v0 =	vld [tilespmem:s31+$0x0];
	_ =	sdelay $0x4  }
0xb7: {  	v0 =	vshll.u32 v0, $0xC  }
0xb8: {  	v0 =	vshra.s32 v0, $0x2  }
0xb9: {  	(v2sf) =	vpush v0, $0x0;
	_ =	sdelay $0x3  }
0xba: {  	(v2sf) =	vpush v0, $0x1;
	_ =	sdelay $0x3  }
0xbb: {  	(v2sf) =	vpush v0, $0x2;
	_ =	sdelay $0x2  }
0xbc: {  	_ =	swait.ge [sflag:s28], $0x400  }
0xbd: {  	(v2sf) =	vpush v0, $0x3  }
0xbe: {  	s1 =	smov.u32 s30;
	s22 =	rddreg [dreg:$0x3]  }
0xbf: {  	[sflag:s28] =	ssyncset.done $0x0;
	s0 =	sadd.s32 s1, s22  }
0xc0: {  	[sflag:s28] =	ssyncadd.s32 $0xFFFFFC00;
	s1 =	sadd.s32 $0x800, s0;
	s22 =	spop (v2sf)  }
0xc1: {  	(v2sf) =	vpush v0, $0x4;
	[hbm4b:s1+s25] =	stream.strided.scatter [tilespmem:s22], [sflag:$0x2], $0x400, s26, s25, $0x38;
	[tilespmem:$0x8C00] =	vst v63  }
0xc2: {  	_ =	swait.ge [sflag:s28], $0x400  }
0xc3: {  	[sflag:s28] =	ssyncset.done $0x0  }
0xc4: {  	s1 =	sadd.s32 $0x810, s0;
	s22 =	spop (v2sf);
	[sflag:s28] =	ssyncadd.s32 $0xFFFFFC00  }
0xc5: {  	(v2sf) =	vpush v0, $0x5;
	[hbm4b:s1+s25] =	stream.strided.scatter [tilespmem:s22], [sflag:$0x2], $0x400, s26, s25, $0x38;
	[tilespmem:$0x8C00] =	vst v63  }
0xc6: {  	_ =	swait.ge [sflag:s28], $0x400  }
0xc7: {  	[sflag:s28] =	ssyncset.done $0x0  }
0xc8: {  	s1 =	sadd.s32 $0x820, s0;
	s22 =	spop (v2sf);
	[sflag:s28] =	ssyncadd.s32 $0xFFFFFC00  }
0xc9: {  	(v2sf) =	vpush v0, $0x6;
	[hbm4b:s1+s25] =	stream.strided.scatter [tilespmem:s22], [sflag:$0x2], $0x400, s26, s25, $0x38;
	[tilespmem:$0x8C00] =	vst v63  }
0xca: {  	_ =	swait.ge [sflag:s28], $0x400  }
0xcb: {  	[sflag:s28] =	ssyncset.done $0x0  }
0xcc: {  	s1 =	sadd.s32 $0x830, s0;
	s22 =	spop (v2sf);
	[sflag:s28] =	ssyncadd.s32 $0xFFFFFC00  }
0xcd: {  	(v2sf) =	vpush v0, $0x7;
	[hbm4b:s1+s25] =	stream.strided.scatter [tilespmem:s22], [sflag:$0x2], $0x400, s26, s25, $0x38;
	[tilespmem:$0x8C00] =	vst v63  }
0xce: {  	_ =	swait.ge [sflag:s28], $0x400  }
0xcf: {  	[sflag:s28] =	ssyncset.done $0x0  }
0xd0: {  	s1 =	sadd.s32 $0x840, s0;
	s22 =	spop (v2sf);
	[sflag:s28] =	ssyncadd.s32 $0xFFFFFC00  }
0xd1: {  	(v2sf) =	vpush v0, $0x8;
	[hbm4b:s1+s25] =	stream.strided.scatter [tilespmem:s22], [sflag:$0x2], $0x400, s26, s25, $0x38;
	[tilespmem:$0x8C00] =	vst v63  }
0xd2: {  	_ =	swait.ge [sflag:s28], $0x400  }
0xd3: {  	[sflag:s28] =	ssyncset.done $0x0  }
0xd4: {  	s1 =	sadd.s32 $0x850, s0;
	s22 =	spop (v2sf);
	[sflag:s28] =	ssyncadd.s32 $0xFFFFFC00  }
0xd5: {  	(v2sf) =	vpush v0, $0x9;
	[hbm4b:s1+s25] =	stream.strided.scatter [tilespmem:s22], [sflag:$0x2], $0x400, s26, s25, $0x38;
	[tilespmem:$0x8C00] =	vst v63  }
0xd6: {  	_ =	swait.ge [sflag:s28], $0x400  }
0xd7: {  	[sflag:s28] =	ssyncset.done $0x0  }
0xd8: {  	s1 =	sadd.s32 $0x860, s0;
	s22 =	spop (v2sf);
	[sflag:s28] =	ssyncadd.s32 $0xFFFFFC00  }
0xd9: {  	(v2sf) =	vpush v0, $0xA;
	[hbm4b:s1+s25] =	stream.strided.scatter [tilespmem:s22], [sflag:$0x2], $0x400, s26, s25, $0x38;
	[tilespmem:$0x8C00] =	vst v63  }
0xda: {  	_ =	swait.ge [sflag:s28], $0x400  }
0xdb: {  	[sflag:s28] =	ssyncset.done $0x0  }
0xdc: {  	s1 =	sadd.s32 $0x870, s0;
	s22 =	spop (v2sf);
	[sflag:s28] =	ssyncadd.s32 $0xFFFFFC00  }
0xdd: {  	(v2sf) =	vpush v0, $0xB;
	[hbm4b:s1+s25] =	stream.strided.scatter [tilespmem:s22], [sflag:$0x2], $0x400, s26, s25, $0x38;
	[tilespmem:$0x8C00] =	vst v63  }
0xde: {  	_ =	swait.ge [sflag:s28], $0x400  }
0xdf: {  	[sflag:s28] =	ssyncset.done $0x0  }
0xe0: {  	s1 =	sadd.s32 $0xC00, s0;
	s22 =	spop (v2sf);
	[sflag:s28] =	ssyncadd.s32 $0xFFFFFC00  }
0xe1: {  	(v2sf) =	vpush v0, $0xC;
	[hbm4b:s1+s25] =	stream.strided.scatter [tilespmem:s22], [sflag:$0x2], $0x400, s26, s25, $0x38;
	[tilespmem:$0x8C00] =	vst v63  }
0xe2: {  	_ =	swait.ge [sflag:s28], $0x400  }
0xe3: {  	[sflag:s28] =	ssyncset.done $0x0  }
0xe4: {  	s1 =	sadd.s32 $0xC10, s0;
	s22 =	spop (v2sf);
	[sflag:s28] =	ssyncadd.s32 $0xFFFFFC00  }
0xe5: {  	(v2sf) =	vpush v0, $0xD;
	[hbm4b:s1+s25] =	stream.strided.scatter [tilespmem:s22], [sflag:$0x2], $0x400, s26, s25, $0x38;
	[tilespmem:$0x8C00] =	vst v63  }
0xe6: {  	_ =	swait.ge [sflag:s28], $0x400  }
0xe7: {  	[sflag:s28] =	ssyncset.done $0x0  }
0xe8: {  	s1 =	sadd.s32 $0xC20, s0;
	s22 =	spop (v2sf);
	[sflag:s28] =	ssyncadd.s32 $0xFFFFFC00  }
0xe9: {  	(v2sf) =	vpush v0, $0xE;
	[hbm4b:s1+s25] =	stream.strided.scatter [tilespmem:s22], [sflag:$0x2], $0x400, s26, s25, $0x38;
	[tilespmem:$0x8C00] =	vst v63  }
0xea: {  	_ =	swait.ge [sflag:s28], $0x400  }
0xeb: {  	[sflag:s28] =	ssyncset.done $0x0  }
0xec: {  	s1 =	sadd.s32 $0xC30, s0;
	s22 =	spop (v2sf);
	[sflag:s28] =	ssyncadd.s32 $0xFFFFFC00  }
0xed: {  	(v2sf) =	vpush v0, $0xF;
	[hbm4b:s1+s25] =	stream.strided.scatter [tilespmem:s22], [sflag:$0x2], $0x400, s26, s25, $0x38;
	[tilespmem:$0x8C00] =	vst v63  }
0xee: {  	_ =	swait.ge [sflag:s28], $0x400  }
0xef: {  	[sflag:s28] =	ssyncset.done $0x0  }
0xf0: {  	s1 =	sadd.s32 $0xC40, s0;
	s22 =	spop (v2sf);
	[sflag:s28] =	ssyncadd.s32 $0xFFFFFC00  }
0xf1: {  	[hbm4b:s1+s25] =	stream.strided.scatter [tilespmem:s22], [sflag:$0x2], $0x400, s26, s25, $0x38;
	[tilespmem:$0x8C00] =	vst v63  }
0xf2: {  	_ =	swait.ge [sflag:s28], $0x400  }
0xf3: {  	[sflag:s28] =	ssyncset.done $0x0  }
0xf4: {  	s1 =	sadd.s32 $0xC50, s0;
	s22 =	spop (v2sf);
	[sflag:s28] =	ssyncadd.s32 $0xFFFFFC00  }
0xf5: {  	[hbm4b:s1+s25] =	stream.strided.scatter [tilespmem:s22], [sflag:$0x2], $0x400, s26, s25, $0x38;
	[tilespmem:$0x8C00] =	vst v63  }
0xf6: {  	_ =	swait.ge [sflag:s28], $0x400  }
0xf7: {  	p0 =	sne.s32 s30, $0x3F000;
	s1 =	sadd.s32 $0xC60, s0;
	[sflag:s28] =	ssyncset.done $0x0  }
.Ltmp1:
0xf8: {  	s22 =	spop (v2sf);
	[sflag:s28] =	ssyncadd.s32 $0xFFFFFC00;
	(pc) =	sbr.rel @p0 .LBB2_4-.Ltmp1, $4  }
0xf9: {  	[hbm4b:s1+s25] =	stream.strided.scatter [tilespmem:s22], [sflag:$0x2], $0x400, s26, s25, $0x38;
	[tilespmem:$0x8C00] =	vst v63  }
0xfa: {  	_ =	swait.ge [sflag:s28], $0x400  }
0xfb: {  	s30 =	sadd.s32 $0x800, s30;
	s31 =	sadd.s32 $0x10, s31;
	[sflag:s28] =	ssyncset.done $0x0  }
0xfc: {  	s0 =	sadd.s32 $0xC70, s0;
	s1 =	spop (v2sf);
	[sflag:s28] =	ssyncadd.s32 $0xFFFFFC00  }
0xfd: {  	[hbm4b:s0+s25] =	stream.strided.scatter [tilespmem:s1], [sflag:$0x2], $0x400, s26, s25, $0x38;
	[tilespmem:$0x8C00] =	vst v63  }
0xfe: {  	_ =	swait.ge [sflag:s28], $0x400  }
0xff: {  	[sflag:s28] =	ssyncset.done $0x0  }
0x100: {  	[sflag:s28] =	ssyncadd.s32 $0xFFFFFC00  }
0x101: {  	_ =	swait.ge [sflag:s28], $0x400  }
0x102: {  	[sflag:s28] =	ssyncset.done $0x0  }
0x103: {  	[sflag:s28] =	ssyncadd.s32 $0xFFFFFC00  }
0x104: {  	_ =	swait.ge [sflag:s28], $0x400  }
0x105: {  	[sflag:s28] =	ssyncset.done $0x0  }
0x106: {  	[sflag:s28] =	ssyncadd.s32 $0xFFFFFC00  }
0x107: {  	_ =	swait.ge [sflag:s28], $0x400  }
0x108: {  	[sflag:s28] =	ssyncset.done $0x0  }
0x109: {  	[sflag:s28] =	ssyncadd.s32 $0xFFFFFC00  }
0x10a: {  	_ =	swait.ge [sflag:s28], $0x400  }
0x10b: {  	[sflag:s28] =	ssyncset.done $0x0  }
0x10c: {  	[sflag:s28] =	ssyncadd.s32 $0xFFFFFC00  }
0x10d: {  	_ =	swait.ge [sflag:s28], $0x400  }
0x10e: {  	[sflag:s28] =	ssyncset.done $0x0  }
0x10f: {  	[sflag:s28] =	ssyncadd.s32 $0xFFFFFC00  }
0x110: {  	_ =	swait.ge [sflag:s28], $0x400  }
0x111: {  	[sflag:s28] =	ssyncset.done $0x0  }
0x112: {  	[sflag:s28] =	ssyncadd.s32 $0xFFFFFC00  }
0x113: {  	_ =	swait.ge [sflag:s28], $0x400  }
0x114: {  	[sflag:s28] =	ssyncset.done $0x0  }
0x115: {  	[sflag:s28] =	ssyncadd.s32 $0xFFFFFC00  }
0x116: {  	_ =	swait.ge [sflag:s28], $0x400  }
0x117: {  	[sflag:s28] =	ssyncset.done $0x0  }
0x118: {  	[sflag:s28] =	ssyncadd.s32 $0xFFFFFC00  }
0x119: {  	_ =	swait.ge [sflag:s28], $0x400  }
0x11a: {  	[sflag:s28] =	ssyncset.done $0x0  }
0x11b: {  	[sflag:s28] =	ssyncadd.s32 $0xFFFFFC00  }
0x11c: {  	_ =	swait.ge [sflag:s28], $0x400  }
0x11d: {  	[sflag:s28] =	ssyncset.done $0x0  }
0x11e: {  	[sflag:s28] =	ssyncadd.s32 $0xFFFFFC00  }
0x11f: {  	_ =	swait.ge [sflag:s28], $0x400  }
0x120: {  	[sflag:s28] =	ssyncset.done $0x0  }
0x121: {  	[sflag:s28] =	ssyncadd.s32 $0xFFFFFC00  }
0x122: {  	_ =	swait.ge [sflag:s28], $0x400  }
0x123: {  	[sflag:s28] =	ssyncset.done $0x0  }
0x124: {  	[sflag:s28] =	ssyncadd.s32 $0xFFFFFC00  }
0x125: {  	_ =	swait.ge [sflag:s28], $0x400  }
0x126: {  	[sflag:s28] =	ssyncset.done $0x0  }
0x127: {  	s29 =	sadd.s32 $0x1, s29;
	[sflag:s28] =	ssyncadd.s32 $0xFFFFFC00  }
0x128: {  	p0 =	sne.s32 s29, s21;
	_ =	swait.ge [sflag:s28], $0x400  }
.Ltmp2:
0x129: {  	[sflag:s28] =	ssyncset.done $0x0;
	(pc) =	sbr.rel @p0 .LBB2_1-.Ltmp2, $4  }
0x12a: {  	[sflag:s28] =	ssyncadd.s32 $0xFFFFFC00  }
0x12b: {  	_ =	swait.ge [sflag:s28], $0x400  }
0x12c: {  	[sflag:s28] =	ssyncset.done $0x0  }
0x12d: {  	[sflag:s28] =	ssyncadd.s32 $0xFFFFFC00  }
0x12e: {  	_ =	sfence.sel $0x180000  }
0x12f: {  	[bflag:$0x0] =	sbarrier.arrive $0xFFFF  }
0x130: {  	_ =	strace $0x90000047  }
0x131: {  	s0 =	stileid.u32;
	[bflag:$0x2] =	sbarrier.arrive $0xFFFF  }
0x132: {  	p0 =	sne.s32 s0, $0x0;
	s0 =	rddreg [dreg:$0x2]  }
0x133: {  	s0 =	sadd.s32 @!p0 $0x100000, s0  }
0x134: {  	[sflag:s0] =	ssyncadd.tile.s32 @!p0 $0x1;
	_ =	shalt  }
.Lfunc_end2:
_tile_overlayer_lowered:
.L_overlay_start_2:
0x135: {  	(tag) =	ssettag $0x2  }
0x136: {  	s0 =	rddreg [dreg:$0x0];
	s2 =	stileid.u32  }
0x137: {  	s1 =	rddreg [dreg:$0x1];
	p0 =	sne.s32 s2, $0x0  }
0x138: {  	s3 =	rddreg [dreg:$0x2];
	[bflag:$0x3] =	sbarrier.arrive $0xFFFF;
	s2 =	simm.s32 @!p0 $0x1C03  }
0x139: {  	[timem:s3], [sflag:s2] =	dma.local @!p0 [hbm:s0], s1  }
0x13a: {  	s0 =	simm.s32 @!p0 $0x3  }
0x13b: {  	_ =	swait.ge @!p0 [sflag:s0], s1  }
0x13c: {  	s1 =	ssub.s32 @!p0 $0x0, s1;
	[sflag:s0] =	ssyncset.done @!p0 $0x0  }
0x13d: {  	[sflag:s0] =	ssyncadd.s32 @!p0 s1  }
0x13e: {  	[bflag:$0x3] =	sbarrier.arrive $0xFFFF  }
0x13f: {  	_ =	shalt  }

</sc_bundles>
